<compile_context>
chip_gen: v7x
topology: tpu7x:2x2x1
jax: 0.10.2.dev20260603
libtpu: 0.0.44.dev20260713+nightly
codegen_flags: <defaults>
</compile_context>

<pallas_src>
import functools

import jax
import jax.numpy as jnp
from jax import lax
from jax.experimental import pallas as pl
from jax.experimental.pallas import tpu as pltpu
from jax.experimental.pallas import tpu_sc as plsc

B = 1024
L = 200
D = 128
VOCAB = 1000
VPAD = 1024
H = 15
C = 10

NUM_CORES = 2
NUM_SUBCORES = 16
NUM_WORKERS = NUM_CORES * NUM_SUBCORES
ROWS_PER_W = B // NUM_WORKERS
LANES = 16


CLR_UNROLL = 16
SCAT_UNROLL = 8


def _sc_counts_body(x_hbm, counts_hbm, x_v, hist_v, in_sem):
    wid = lax.axis_index("s") * NUM_CORES + lax.axis_index("c")
    base = wid * ROWS_PER_W

    cp = pltpu.async_copy(x_hbm.at[pl.ds(base, ROWS_PER_W)], x_v, in_sem)

    zeros16 = jnp.zeros((LANES,), jnp.float32)

    def clr(i, carry):
        for k in range(CLR_UNROLL):
            j = i * CLR_UNROLL + k
            hist_v[j // (VPAD // LANES),
                   pl.ds((j % (VPAD // LANES)) * LANES, LANES)] = zeros16
        return carry

    lax.fori_loop(0, (ROWS_PER_W * VPAD) // (LANES * CLR_UNROLL), clr, 0)

    cp.wait()

    lane = lax.iota(jnp.int32, LANES)
    ones = jnp.ones((LANES,), jnp.float32)

    rows = [lane + g * LANES for g in range(ROWS_PER_W // LANES)]

    def body(blk, carry):
        for j in range(SCAT_UNROLL):
            lbc = jnp.full((LANES,), blk * SCAT_UNROLL + j, jnp.int32)
            for g in range(ROWS_PER_W // LANES):
                tok = plsc.load_gather(x_v, [rows[g], lbc])
                plsc.addupdate_scatter(hist_v, [rows[g], tok], ones)
        return carry

    lax.fori_loop(0, L // SCAT_UNROLL, body, 0)

    pltpu.sync_copy(hist_v, counts_hbm.at[pl.ds(base, ROWS_PER_W)])


@functools.cache
def _sc_counts():
    return pl.kernel(
        _sc_counts_body,
        mesh=plsc.VectorSubcoreMesh(core_axis_name="c", subcore_axis_name="s"),
        out_type=jax.ShapeDtypeStruct((B, VPAD), jnp.float32),
        scratch_types=[
            pltpu.VMEM((ROWS_PER_W, L), jnp.int32),
            pltpu.VMEM((ROWS_PER_W, VPAD), jnp.float32),
            pltpu.SemaphoreType.DMA,
        ],
        compiler_params=pltpu.CompilerParams(needs_layout_passes=False),
    )


BLK_B = 512


def _tc_mlp_body(counts_ref, table_ref, w1t_ref, b1_ref, w2t_ref,
                 b2_ref, w3t_ref, b3_ref, out_ref):
    tpad = jnp.concatenate(
        [table_ref[...], jnp.zeros((VPAD - VOCAB, D), jnp.float32)], axis=0)
    t_hi = tpad.astype(jnp.bfloat16)
    t_lo = (tpad - t_hi.astype(jnp.float32)).astype(jnp.bfloat16)
    cb = counts_ref[...].astype(jnp.bfloat16)
    acc = lax.dot_general(
        cb, t_hi, (((1,), (0,)), ((), ())),
        preferred_element_type=jnp.float32)
    acc += lax.dot_general(
        cb, t_lo, (((1,), (0,)), ((), ())),
        preferred_element_type=jnp.float32)
    pooled = acc * (1.0 / L)
    h = jax.nn.sigmoid(
        lax.dot_general(pooled, w1t_ref[...], (((1,), (0,)), ((), ())),
                        precision=lax.Precision.HIGHEST,
                        preferred_element_type=jnp.float32) + b1_ref[...])
    h = jax.nn.sigmoid(
        lax.dot_general(h, w2t_ref[...], (((1,), (0,)), ((), ())),
                        precision=lax.Precision.HIGHEST,
                        preferred_element_type=jnp.float32) + b2_ref[...])
    logits = lax.dot_general(h, w3t_ref[...], (((1,), (0,)), ((), ())),
                             precision=lax.Precision.HIGHEST,
                             preferred_element_type=jnp.float32) + b3_ref[...]
    m = jnp.max(logits, axis=1, keepdims=True)
    e = jnp.exp(logits - m)
    out_ref[...] = e / jnp.sum(e, axis=1, keepdims=True)


def _tc_mlp(counts, table, w1t, b1r, w2t, b2r, w3t, b3r):
    grid = (B // BLK_B,)
    return pl.pallas_call(
        _tc_mlp_body,
        grid=grid,
        in_specs=[
            pl.BlockSpec((BLK_B, VPAD), lambda i: (i, 0)),
            pl.BlockSpec((VOCAB, D), lambda i: (0, 0)),
            pl.BlockSpec((D, H), lambda i: (0, 0)),
            pl.BlockSpec((1, H), lambda i: (0, 0)),
            pl.BlockSpec((H, H), lambda i: (0, 0)),
            pl.BlockSpec((1, H), lambda i: (0, 0)),
            pl.BlockSpec((H, C), lambda i: (0, 0)),
            pl.BlockSpec((1, C), lambda i: (0, 0)),
        ],
        out_specs=pl.BlockSpec((BLK_B, C), lambda i: (i, 0)),
        out_shape=jax.ShapeDtypeStruct((B, C), jnp.float32),
    )(counts, table, w1t, b1r, w2t, b2r, w3t, b3r)


def kernel(x, table, W1, b1, W2, b2, W3, b3):
    x = x.astype(jnp.int32)
    counts = _sc_counts()(x)
    return _tc_mlp(counts, table,
                   W1.T, b1.reshape(1, H),
                   W2.T, b2.reshape(1, H),
                   W3.T, b3.reshape(1, C))

# --- scband reference (transcript-rebuilt; emitter-appended) ---
"""Pipeline reference for scband-nlpclassify-model-88871463288901 (READ-ONLY COPY).

The authoritative reference and input builder live on the scoring server;
editing this copy changes nothing except your own understanding.
"""

import jax, jax.numpy as jnp
import numpy as np

VOCAB = 1000
B = 1024
L = 200
D = 128
H = 15
C = 10


def setup_inputs(seed: int = 0) -> dict:
    key = jax.random.key(seed)
    ks = jax.random.split(key, 8)
    x = jax.random.randint(ks[0], (B, L), 0, VOCAB)
    table = jax.random.normal(ks[1], (VOCAB, D), dtype=jnp.float32)
    W1 = jax.random.normal(ks[2], (H, D), dtype=jnp.float32) * (1.0 / np.sqrt(D))
    b1 = jnp.zeros((H,), dtype=jnp.float32)
    W2 = jax.random.normal(ks[3], (H, H), dtype=jnp.float32) * (1.0 / np.sqrt(H))
    b2 = jnp.zeros((H,), dtype=jnp.float32)
    W3 = jax.random.normal(ks[4], (C, H), dtype=jnp.float32) * (1.0 / np.sqrt(H))
    b3 = jnp.zeros((C,), dtype=jnp.float32)
    return {"x": x, "table": table, "W1": W1, "b1": b1, "W2": W2, "b2": b2, "W3": W3, "b3": b3}


def reference(x, table, W1, b1, W2, b2, W3, b3):
    # nn.Embedding: gather rows of the table
    emb = jnp.take(table, x, axis=0)            # [B, L, D]
    # AvgPool1d(sentenceLength) over transposed [B, D, L] -> mean over L
    pooled = jnp.mean(emb, axis=1)              # [B, D]
    h = jax.nn.sigmoid(pooled @ W1.T + b1)      # [B, 15]
    h = jax.nn.sigmoid(h @ W2.T + b2)           # [B, 15]
    logits = h @ W3.T + b3                      # [B, C]
    return jax.nn.softmax(logits, axis=1)

if __name__ == "__main__":
    import jax
    _d = setup_inputs()
    print(jax.jit(kernel)(*tuple(_d.values())))

</pallas_src>

<mosaic_0001>
#map = affine_map<(d0, d1) -> (0, 0)>
module attributes {stable_mosaic.version = 14 : i64} {
  func.func @_sc_counts_body(%arg0: i32, %arg1: i32, %arg2: memref<1024x200xi32, #tpu.memory_space<hbm>>, %arg3: memref<1024x1024xf32, #tpu.memory_space<hbm>>, %arg4: memref<32x200xi32, #tpu.memory_space<vmem>>, %arg5: memref<32x1024xf32, #tpu.memory_space<vmem>>, %arg6: memref<!tpu.dma_semaphore, #tpu.memory_space<semaphore_mem>>) attributes {dimension_semantics = [#tpu.dimension_semantics<core_parallel>, #tpu.dimension_semantics<subcore_parallel>], iteration_bounds = array<i64: 2, 16>, scalar_prefetch = 0 : i64, scratch_operands = 3 : i64, tpu.core_type = #tpu.core_type<sc_vector_subcore>, window_params = [{transform_indices = #map}, {transform_indices = #map}]} {
    %mul3A = arith.constant 2 : i32
    %mul3A_0 = arith.muli %arg1, %mul3A : i32
    %add3A = arith.addi %mul3A_0, %arg0 : i32
    %mul3A_1 = arith.constant 32 : i32
    %mul3A_2 = arith.muli %add3A, %mul3A_1 : i32
    %dma_start3A = arith.constant 0 : i32
    %dma_start3A_3 = tpu.memref_slice %arg2[%mul3A_2, %dma_start3A] : memref<1024x200xi32, #tpu.memory_space<hbm>> -> memref<32x200xi32, #tpu.memory_space<hbm>>
    %dma_start3A_4 = arith.constant 0 : i32
    %dma_start3A_5 = tpu.memref_slice %arg2[%mul3A_2, %dma_start3A_4] : memref<1024x200xi32, #tpu.memory_space<hbm>> -> memref<32x200xi32, #tpu.memory_space<hbm>>
    tpu.enqueue_dma source(%dma_start3A_5 : memref<32x200xi32, #tpu.memory_space<hbm>>) target(%arg4 : memref<32x200xi32, #tpu.memory_space<vmem>>) target_semaphore(%arg6 : memref<!tpu.dma_semaphore, #tpu.memory_space<semaphore_mem>>)
    %broadcast_in_dim3A = arith.constant 0.000000e+00 : f32
    %broadcast_in_dim3A_6 = vector.broadcast %broadcast_in_dim3A : f32 to vector<16xf32>
    %scan3A = arith.constant 0 : i32
    %scan3A_7 = arith.constant 0 : i32
    %scan3A_8 = arith.constant 128 : i32
    %scan3A_9 = arith.addi %scan3A_7, %scan3A_8 : i32
    %scan3A_10 = arith.constant 1 : i32
    scf.for %scan3A_29 = %scan3A_7 to %scan3A_9 step %scan3A_10  : i32 {
      %mul3A_30 = arith.constant 16 : i32
      %mul3A_31 = arith.muli %scan3A_29, %mul3A_30 : i32
      %add3A_32 = arith.constant 0 : i32
      %add3A_33 = arith.addi %mul3A_31, %add3A_32 : i32
      %jit3A = arith.constant 64 : i32
      %div3A = arith.divsi %add3A_33, %jit3A : i32
      %sign3A = arith.constant 0 : i32
      %sign3A_34 = arith.cmpi sgt, %add3A_33, %sign3A : i32
      %sign3A_35 = arith.extui %sign3A_34 : i1 to i32
      %sign3A_36 = arith.constant 0 : i32
      %sign3A_37 = arith.cmpi slt, %add3A_33, %sign3A_36 : i32
      %sign3A_38 = arith.extui %sign3A_37 : i1 to i32
      %sign3A_39 = arith.subi %sign3A_35, %sign3A_38 : i32
      %sign3A_40 = arith.constant 0 : i32
      %sign3A_41 = arith.cmpi sgt, %jit3A, %sign3A_40 : i32
      %sign3A_42 = arith.extui %sign3A_41 : i1 to i32
      %sign3A_43 = arith.constant 0 : i32
      %sign3A_44 = arith.cmpi slt, %jit3A, %sign3A_43 : i32
      %sign3A_45 = arith.extui %sign3A_44 : i1 to i32
      %sign3A_46 = arith.subi %sign3A_42, %sign3A_45 : i32
      %ne3A = arith.cmpi ne, %sign3A_39, %sign3A_46 : i32
      %rem3A = arith.remsi %add3A_33, %jit3A : i32
      %ne3A_47 = arith.constant 0 : i32
      %ne3A_48 = arith.cmpi ne, %rem3A, %ne3A_47 : i32
      %and3A = arith.andi %ne3A, %ne3A_48 : i1
      %sub3A = arith.constant 1 : i32
      %sub3A_49 = arith.subi %div3A, %sub3A : i32
      %select_n3A = arith.select %and3A, %sub3A_49, %div3A : i32
      %jit3A_50 = arith.constant 64 : i32
      %eq3A = arith.constant 0 : i32
      %eq3A_51 = arith.cmpi eq, %jit3A_50, %eq3A : i32
      %jit3A_52 = arith.constant 1 : i32
      %select_n3A_53 = arith.select %eq3A_51, %jit3A_52, %jit3A_50 : i32
      %rem3A_54 = arith.remsi %add3A_33, %select_n3A_53 : i32
      %ne3A_55 = arith.constant 0 : i32
      %ne3A_56 = arith.cmpi ne, %rem3A_54, %ne3A_55 : i32
      %lt3A = arith.constant 0 : i32
      %lt3A_57 = arith.cmpi slt, %rem3A_54, %lt3A : i32
      %lt3A_58 = arith.constant 0 : i32
      %lt3A_59 = arith.cmpi slt, %select_n3A_53, %lt3A_58 : i32
      %ne3A_60 = arith.xori %lt3A_57, %lt3A_59 : i1
      %and3A_61 = arith.andi %ne3A_60, %ne3A_56 : i1
      %add3A_62 = arith.addi %rem3A_54, %select_n3A_53 : i32
      %select_n3A_63 = arith.select %and3A_61, %add3A_62, %rem3A_54 : i32
      %mul3A_64 = arith.constant 16 : i32
      %mul3A_65 = arith.muli %select_n3A_63, %mul3A_64 : i32
      %swap3A = arith.index_cast %select_n3A : i32 to index
      %swap3A_66 = arith.index_cast %mul3A_65 : i32 to index
      %swap3A_67 = tpu.vector_load %arg5[%swap3A, %swap3A_66] {strides = array<i32>} : memref<32x1024xf32, #tpu.memory_space<vmem>>, vector<16xf32>,
      tpu.vector_store %arg5[%swap3A, %swap3A_66], %broadcast_in_dim3A_6 {strides = array<i32>} : memref<32x1024xf32, #tpu.memory_space<vmem>>, vector<16xf32>,
      %mul3A_68 = arith.constant 16 : i32
      %mul3A_69 = arith.muli %scan3A_29, %mul3A_68 : i32
      %add3A_70 = arith.constant 1 : i32
      %add3A_71 = arith.addi %mul3A_69, %add3A_70 : i32
      %jit3A_72 = arith.constant 64 : i32
      %div3A_73 = arith.divsi %add3A_71, %jit3A_72 : i32
      %sign3A_74 = arith.constant 0 : i32
      %sign3A_75 = arith.cmpi sgt, %add3A_71, %sign3A_74 : i32
      %sign3A_76 = arith.extui %sign3A_75 : i1 to i32
      %sign3A_77 = arith.constant 0 : i32
      %sign3A_78 = arith.cmpi slt, %add3A_71, %sign3A_77 : i32
      %sign3A_79 = arith.extui %sign3A_78 : i1 to i32
      %sign3A_80 = arith.subi %sign3A_76, %sign3A_79 : i32
      %sign3A_81 = arith.constant 0 : i32
      %sign3A_82 = arith.cmpi sgt, %jit3A_72, %sign3A_81 : i32
      %sign3A_83 = arith.extui %sign3A_82 : i1 to i32
      %sign3A_84 = arith.constant 0 : i32
      %sign3A_85 = arith.cmpi slt, %jit3A_72, %sign3A_84 : i32
      %sign3A_86 = arith.extui %sign3A_85 : i1 to i32
      %sign3A_87 = arith.subi %sign3A_83, %sign3A_86 : i32
      %ne3A_88 = arith.cmpi ne, %sign3A_80, %sign3A_87 : i32
      %rem3A_89 = arith.remsi %add3A_71, %jit3A_72 : i32
      %ne3A_90 = arith.constant 0 : i32
      %ne3A_91 = arith.cmpi ne, %rem3A_89, %ne3A_90 : i32
      %and3A_92 = arith.andi %ne3A_88, %ne3A_91 : i1
      %sub3A_93 = arith.constant 1 : i32
      %sub3A_94 = arith.subi %div3A_73, %sub3A_93 : i32
      %select_n3A_95 = arith.select %and3A_92, %sub3A_94, %div3A_73 : i32
      %jit3A_96 = arith.constant 64 : i32
      %eq3A_97 = arith.constant 0 : i32
      %eq3A_98 = arith.cmpi eq, %jit3A_96, %eq3A_97 : i32
      %jit3A_99 = arith.constant 1 : i32
      %select_n3A_100 = arith.select %eq3A_98, %jit3A_99, %jit3A_96 : i32
      %rem3A_101 = arith.remsi %add3A_71, %select_n3A_100 : i32
      %ne3A_102 = arith.constant 0 : i32
      %ne3A_103 = arith.cmpi ne, %rem3A_101, %ne3A_102 : i32
      %lt3A_104 = arith.constant 0 : i32
      %lt3A_105 = arith.cmpi slt, %rem3A_101, %lt3A_104 : i32
      %lt3A_106 = arith.constant 0 : i32
      %lt3A_107 = arith.cmpi slt, %select_n3A_100, %lt3A_106 : i32
      %ne3A_108 = arith.xori %lt3A_105, %lt3A_107 : i1
      %and3A_109 = arith.andi %ne3A_108, %ne3A_103 : i1
      %add3A_110 = arith.addi %rem3A_101, %select_n3A_100 : i32
      %select_n3A_111 = arith.select %and3A_109, %add3A_110, %rem3A_101 : i32
      %mul3A_112 = arith.constant 16 : i32
      %mul3A_113 = arith.muli %select_n3A_111, %mul3A_112 : i32
      %swap3A_114 = arith.index_cast %select_n3A_95 : i32 to index
      %swap3A_115 = arith.index_cast %mul3A_113 : i32 to index
      %swap3A_116 = tpu.vector_load %arg5[%swap3A_114, %swap3A_115] {strides = array<i32>} : memref<32x1024xf32, #tpu.memory_space<vmem>>, vector<16xf32>,
      tpu.vector_store %arg5[%swap3A_114, %swap3A_115], %broadcast_in_dim3A_6 {strides = array<i32>} : memref<32x1024xf32, #tpu.memory_space<vmem>>, vector<16xf32>,
      %mul3A_117 = arith.constant 16 : i32
      %mul3A_118 = arith.muli %scan3A_29, %mul3A_117 : i32
      %add3A_119 = arith.constant 2 : i32
      %add3A_120 = arith.addi %mul3A_118, %add3A_119 : i32
      %jit3A_121 = arith.constant 64 : i32
      %div3A_122 = arith.divsi %add3A_120, %jit3A_121 : i32
      %sign3A_123 = arith.constant 0 : i32
      %sign3A_124 = arith.cmpi sgt, %add3A_120, %sign3A_123 : i32
      %sign3A_125 = arith.extui %sign3A_124 : i1 to i32
      %sign3A_126 = arith.constant 0 : i32
      %sign3A_127 = arith.cmpi slt, %add3A_120, %sign3A_126 : i32
      %sign3A_128 = arith.extui %sign3A_127 : i1 to i32
      %sign3A_129 = arith.subi %sign3A_125, %sign3A_128 : i32
      %sign3A_130 = arith.constant 0 : i32
      %sign3A_131 = arith.cmpi sgt, %jit3A_121, %sign3A_130 : i32
      %sign3A_132 = arith.extui %sign3A_131 : i1 to i32
      %sign3A_133 = arith.constant 0 : i32
      %sign3A_134 = arith.cmpi slt, %jit3A_121, %sign3A_133 : i32
      %sign3A_135 = arith.extui %sign3A_134 : i1 to i32
      %sign3A_136 = arith.subi %sign3A_132, %sign3A_135 : i32
      %ne3A_137 = arith.cmpi ne, %sign3A_129, %sign3A_136 : i32
      %rem3A_138 = arith.remsi %add3A_120, %jit3A_121 : i32
      %ne3A_139 = arith.constant 0 : i32
      %ne3A_140 = arith.cmpi ne, %rem3A_138, %ne3A_139 : i32
      %and3A_141 = arith.andi %ne3A_137, %ne3A_140 : i1
      %sub3A_142 = arith.constant 1 : i32
      %sub3A_143 = arith.subi %div3A_122, %sub3A_142 : i32
      %select_n3A_144 = arith.select %and3A_141, %sub3A_143, %div3A_122 : i32
      %jit3A_145 = arith.constant 64 : i32
      %eq3A_146 = arith.constant 0 : i32
      %eq3A_147 = arith.cmpi eq, %jit3A_145, %eq3A_146 : i32
      %jit3A_148 = arith.constant 1 : i32
      %select_n3A_149 = arith.select %eq3A_147, %jit3A_148, %jit3A_145 : i32
      %rem3A_150 = arith.remsi %add3A_120, %select_n3A_149 : i32
      %ne3A_151 = arith.constant 0 : i32
      %ne3A_152 = arith.cmpi ne, %rem3A_150, %ne3A_151 : i32
      %lt3A_153 = arith.constant 0 : i32
      %lt3A_154 = arith.cmpi slt, %rem3A_150, %lt3A_153 : i32
      %lt3A_155 = arith.constant 0 : i32
      %lt3A_156 = arith.cmpi slt, %select_n3A_149, %lt3A_155 : i32
      %ne3A_157 = arith.xori %lt3A_154, %lt3A_156 : i1
      %and3A_158 = arith.andi %ne3A_157, %ne3A_152 : i1
      %add3A_159 = arith.addi %rem3A_150, %select_n3A_149 : i32
      %select_n3A_160 = arith.select %and3A_158, %add3A_159, %rem3A_150 : i32
      %mul3A_161 = arith.constant 16 : i32
      %mul3A_162 = arith.muli %select_n3A_160, %mul3A_161 : i32
      %swap3A_163 = arith.index_cast %select_n3A_144 : i32 to index
      %swap3A_164 = arith.index_cast %mul3A_162 : i32 to index
      %swap3A_165 = tpu.vector_load %arg5[%swap3A_163, %swap3A_164] {strides = array<i32>} : memref<32x1024xf32, #tpu.memory_space<vmem>>, vector<16xf32>,
      tpu.vector_store %arg5[%swap3A_163, %swap3A_164], %broadcast_in_dim3A_6 {strides = array<i32>} : memref<32x1024xf32, #tpu.memory_space<vmem>>, vector<16xf32>,
      %mul3A_166 = arith.constant 16 : i32
      %mul3A_167 = arith.muli %scan3A_29, %mul3A_166 : i32
      %add3A_168 = arith.constant 3 : i32
      %add3A_169 = arith.addi %mul3A_167, %add3A_168 : i32
      %jit3A_170 = arith.constant 64 : i32
      %div3A_171 = arith.divsi %add3A_169, %jit3A_170 : i32
      %sign3A_172 = arith.constant 0 : i32
      %sign3A_173 = arith.cmpi sgt, %add3A_169, %sign3A_172 : i32
      %sign3A_174 = arith.extui %sign3A_173 : i1 to i32
      %sign3A_175 = arith.constant 0 : i32
      %sign3A_176 = arith.cmpi slt, %add3A_169, %sign3A_175 : i32
      %sign3A_177 = arith.extui %sign3A_176 : i1 to i32
      %sign3A_178 = arith.subi %sign3A_174, %sign3A_177 : i32
      %sign3A_179 = arith.constant 0 : i32
      %sign3A_180 = arith.cmpi sgt, %jit3A_170, %sign3A_179 : i32
      %sign3A_181 = arith.extui %sign3A_180 : i1 to i32
      %sign3A_182 = arith.constant 0 : i32
      %sign3A_183 = arith.cmpi slt, %jit3A_170, %sign3A_182 : i32
      %sign3A_184 = arith.extui %sign3A_183 : i1 to i32
      %sign3A_185 = arith.subi %sign3A_181, %sign3A_184 : i32
      %ne3A_186 = arith.cmpi ne, %sign3A_178, %sign3A_185 : i32
      %rem3A_187 = arith.remsi %add3A_169, %jit3A_170 : i32
      %ne3A_188 = arith.constant 0 : i32
      %ne3A_189 = arith.cmpi ne, %rem3A_187, %ne3A_188 : i32
      %and3A_190 = arith.andi %ne3A_186, %ne3A_189 : i1
      %sub3A_191 = arith.constant 1 : i32
      %sub3A_192 = arith.subi %div3A_171, %sub3A_191 : i32
      %select_n3A_193 = arith.select %and3A_190, %sub3A_192, %div3A_171 : i32
      %jit3A_194 = arith.constant 64 : i32
      %eq3A_195 = arith.constant 0 : i32
      %eq3A_196 = arith.cmpi eq, %jit3A_194, %eq3A_195 : i32
      %jit3A_197 = arith.constant 1 : i32
      %select_n3A_198 = arith.select %eq3A_196, %jit3A_197, %jit3A_194 : i32
      %rem3A_199 = arith.remsi %add3A_169, %select_n3A_198 : i32
      %ne3A_200 = arith.constant 0 : i32
      %ne3A_201 = arith.cmpi ne, %rem3A_199, %ne3A_200 : i32
      %lt3A_202 = arith.constant 0 : i32
      %lt3A_203 = arith.cmpi slt, %rem3A_199, %lt3A_202 : i32
      %lt3A_204 = arith.constant 0 : i32
      %lt3A_205 = arith.cmpi slt, %select_n3A_198, %lt3A_204 : i32
      %ne3A_206 = arith.xori %lt3A_203, %lt3A_205 : i1
      %and3A_207 = arith.andi %ne3A_206, %ne3A_201 : i1
      %add3A_208 = arith.addi %rem3A_199, %select_n3A_198 : i32
      %select_n3A_209 = arith.select %and3A_207, %add3A_208, %rem3A_199 : i32
      %mul3A_210 = arith.constant 16 : i32
      %mul3A_211 = arith.muli %select_n3A_209, %mul3A_210 : i32
      %swap3A_212 = arith.index_cast %select_n3A_193 : i32 to index
      %swap3A_213 = arith.index_cast %mul3A_211 : i32 to index
      %swap3A_214 = tpu.vector_load %arg5[%swap3A_212, %swap3A_213] {strides = array<i32>} : memref<32x1024xf32, #tpu.memory_space<vmem>>, vector<16xf32>,
      tpu.vector_store %arg5[%swap3A_212, %swap3A_213], %broadcast_in_dim3A_6 {strides = array<i32>} : memref<32x1024xf32, #tpu.memory_space<vmem>>, vector<16xf32>,
      %mul3A_215 = arith.constant 16 : i32
      %mul3A_216 = arith.muli %scan3A_29, %mul3A_215 : i32
      %add3A_217 = arith.constant 4 : i32
      %add3A_218 = arith.addi %mul3A_216, %add3A_217 : i32
      %jit3A_219 = arith.constant 64 : i32
      %div3A_220 = arith.divsi %add3A_218, %jit3A_219 : i32
      %sign3A_221 = arith.constant 0 : i32
      %sign3A_222 = arith.cmpi sgt, %add3A_218, %sign3A_221 : i32
      %sign3A_223 = arith.extui %sign3A_222 : i1 to i32
      %sign3A_224 = arith.constant 0 : i32
      %sign3A_225 = arith.cmpi slt, %add3A_218, %sign3A_224 : i32
      %sign3A_226 = arith.extui %sign3A_225 : i1 to i32
      %sign3A_227 = arith.subi %sign3A_223, %sign3A_226 : i32
      %sign3A_228 = arith.constant 0 : i32
      %sign3A_229 = arith.cmpi sgt, %jit3A_219, %sign3A_228 : i32
      %sign3A_230 = arith.extui %sign3A_229 : i1 to i32
      %sign3A_231 = arith.constant 0 : i32
      %sign3A_232 = arith.cmpi slt, %jit3A_219, %sign3A_231 : i32
      %sign3A_233 = arith.extui %sign3A_232 : i1 to i32
      %sign3A_234 = arith.subi %sign3A_230, %sign3A_233 : i32
      %ne3A_235 = arith.cmpi ne, %sign3A_227, %sign3A_234 : i32
      %rem3A_236 = arith.remsi %add3A_218, %jit3A_219 : i32
      %ne3A_237 = arith.constant 0 : i32
      %ne3A_238 = arith.cmpi ne, %rem3A_236, %ne3A_237 : i32
      %and3A_239 = arith.andi %ne3A_235, %ne3A_238 : i1
      %sub3A_240 = arith.constant 1 : i32
      %sub3A_241 = arith.subi %div3A_220, %sub3A_240 : i32
      %select_n3A_242 = arith.select %and3A_239, %sub3A_241, %div3A_220 : i32
      %jit3A_243 = arith.constant 64 : i32
      %eq3A_244 = arith.constant 0 : i32
      %eq3A_245 = arith.cmpi eq, %jit3A_243, %eq3A_244 : i32
      %jit3A_246 = arith.constant 1 : i32
      %select_n3A_247 = arith.select %eq3A_245, %jit3A_246, %jit3A_243 : i32
      %rem3A_248 = arith.remsi %add3A_218, %select_n3A_247 : i32
      %ne3A_249 = arith.constant 0 : i32
      %ne3A_250 = arith.cmpi ne, %rem3A_248, %ne3A_249 : i32
      %lt3A_251 = arith.constant 0 : i32
      %lt3A_252 = arith.cmpi slt, %rem3A_248, %lt3A_251 : i32
      %lt3A_253 = arith.constant 0 : i32
      %lt3A_254 = arith.cmpi slt, %select_n3A_247, %lt3A_253 : i32
      %ne3A_255 = arith.xori %lt3A_252, %lt3A_254 : i1
      %and3A_256 = arith.andi %ne3A_255, %ne3A_250 : i1
      %add3A_257 = arith.addi %rem3A_248, %select_n3A_247 : i32
      %select_n3A_258 = arith.select %and3A_256, %add3A_257, %rem3A_248 : i32
      %mul3A_259 = arith.constant 16 : i32
      %mul3A_260 = arith.muli %select_n3A_258, %mul3A_259 : i32
      %swap3A_261 = arith.index_cast %select_n3A_242 : i32 to index
      %swap3A_262 = arith.index_cast %mul3A_260 : i32 to index
      %swap3A_263 = tpu.vector_load %arg5[%swap3A_261, %swap3A_262] {strides = array<i32>} : memref<32x1024xf32, #tpu.memory_space<vmem>>, vector<16xf32>,
      tpu.vector_store %arg5[%swap3A_261, %swap3A_262], %broadcast_in_dim3A_6 {strides = array<i32>} : memref<32x1024xf32, #tpu.memory_space<vmem>>, vector<16xf32>,
      %mul3A_264 = arith.constant 16 : i32
      %mul3A_265 = arith.muli %scan3A_29, %mul3A_264 : i32
      %add3A_266 = arith.constant 5 : i32
      %add3A_267 = arith.addi %mul3A_265, %add3A_266 : i32
      %jit3A_268 = arith.constant 64 : i32
      %div3A_269 = arith.divsi %add3A_267, %jit3A_268 : i32
      %sign3A_270 = arith.constant 0 : i32
      %sign3A_271 = arith.cmpi sgt, %add3A_267, %sign3A_270 : i32
      %sign3A_272 = arith.extui %sign3A_271 : i1 to i32
      %sign3A_273 = arith.constant 0 : i32
      %sign3A_274 = arith.cmpi slt, %add3A_267, %sign3A_273 : i32
      %sign3A_275 = arith.extui %sign3A_274 : i1 to i32
      %sign3A_276 = arith.subi %sign3A_272, %sign3A_275 : i32
      %sign3A_277 = arith.constant 0 : i32
      %sign3A_278 = arith.cmpi sgt, %jit3A_268, %sign3A_277 : i32
      %sign3A_279 = arith.extui %sign3A_278 : i1 to i32
      %sign3A_280 = arith.constant 0 : i32
      %sign3A_281 = arith.cmpi slt, %jit3A_268, %sign3A_280 : i32
      %sign3A_282 = arith.extui %sign3A_281 : i1 to i32
      %sign3A_283 = arith.subi %sign3A_279, %sign3A_282 : i32
      %ne3A_284 = arith.cmpi ne, %sign3A_276, %sign3A_283 : i32
      %rem3A_285 = arith.remsi %add3A_267, %jit3A_268 : i32
      %ne3A_286 = arith.constant 0 : i32
      %ne3A_287 = arith.cmpi ne, %rem3A_285, %ne3A_286 : i32
      %and3A_288 = arith.andi %ne3A_284, %ne3A_287 : i1
      %sub3A_289 = arith.constant 1 : i32
      %sub3A_290 = arith.subi %div3A_269, %sub3A_289 : i32
      %select_n3A_291 = arith.select %and3A_288, %sub3A_290, %div3A_269 : i32
      %jit3A_292 = arith.constant 64 : i32
      %eq3A_293 = arith.constant 0 : i32
      %eq3A_294 = arith.cmpi eq, %jit3A_292, %eq3A_293 : i32
      %jit3A_295 = arith.constant 1 : i32
      %select_n3A_296 = arith.select %eq3A_294, %jit3A_295, %jit3A_292 : i32
      %rem3A_297 = arith.remsi %add3A_267, %select_n3A_296 : i32
      %ne3A_298 = arith.constant 0 : i32
      %ne3A_299 = arith.cmpi ne, %rem3A_297, %ne3A_298 : i32
      %lt3A_300 = arith.constant 0 : i32
      %lt3A_301 = arith.cmpi slt, %rem3A_297, %lt3A_300 : i32
      %lt3A_302 = arith.constant 0 : i32
      %lt3A_303 = arith.cmpi slt, %select_n3A_296, %lt3A_302 : i32
      %ne3A_304 = arith.xori %lt3A_301, %lt3A_303 : i1
      %and3A_305 = arith.andi %ne3A_304, %ne3A_299 : i1
      %add3A_306 = arith.addi %rem3A_297, %select_n3A_296 : i32
      %select_n3A_307 = arith.select %and3A_305, %add3A_306, %rem3A_297 : i32
      %mul3A_308 = arith.constant 16 : i32
      %mul3A_309 = arith.muli %select_n3A_307, %mul3A_308 : i32
      %swap3A_310 = arith.index_cast %select_n3A_291 : i32 to index
      %swap3A_311 = arith.index_cast %mul3A_309 : i32 to index
      %swap3A_312 = tpu.vector_load %arg5[%swap3A_310, %swap3A_311] {strides = array<i32>} : memref<32x1024xf32, #tpu.memory_space<vmem>>, vector<16xf32>,
      tpu.vector_store %arg5[%swap3A_310, %swap3A_311], %broadcast_in_dim3A_6 {strides = array<i32>} : memref<32x1024xf32, #tpu.memory_space<vmem>>, vector<16xf32>,
      %mul3A_313 = arith.constant 16 : i32
      %mul3A_314 = arith.muli %scan3A_29, %mul3A_313 : i32
      %add3A_315 = arith.constant 6 : i32
      %add3A_316 = arith.addi %mul3A_314, %add3A_315 : i32
      %jit3A_317 = arith.constant 64 : i32
      %div3A_318 = arith.divsi %add3A_316, %jit3A_317 : i32
      %sign3A_319 = arith.constant 0 : i32
      %sign3A_320 = arith.cmpi sgt, %add3A_316, %sign3A_319 : i32
      %sign3A_321 = arith.extui %sign3A_320 : i1 to i32
      %sign3A_322 = arith.constant 0 : i32
      %sign3A_323 = arith.cmpi slt, %add3A_316, %sign3A_322 : i32
      %sign3A_324 = arith.extui %sign3A_323 : i1 to i32
      %sign3A_325 = arith.subi %sign3A_321, %sign3A_324 : i32
      %sign3A_326 = arith.constant 0 : i32
      %sign3A_327 = arith.cmpi sgt, %jit3A_317, %sign3A_326 : i32
      %sign3A_328 = arith.extui %sign3A_327 : i1 to i32
      %sign3A_329 = arith.constant 0 : i32
      %sign3A_330 = arith.cmpi slt, %jit3A_317, %sign3A_329 : i32
      %sign3A_331 = arith.extui %sign3A_330 : i1 to i32
      %sign3A_332 = arith.subi %sign3A_328, %sign3A_331 : i32
      %ne3A_333 = arith.cmpi ne, %sign3A_325, %sign3A_332 : i32
      %rem3A_334 = arith.remsi %add3A_316, %jit3A_317 : i32
      %ne3A_335 = arith.constant 0 : i32
      %ne3A_336 = arith.cmpi ne, %rem3A_334, %ne3A_335 : i32
      %and3A_337 = arith.andi %ne3A_333, %ne3A_336 : i1
      %sub3A_338 = arith.constant 1 : i32
      %sub3A_339 = arith.subi %div3A_318, %sub3A_338 : i32
      %select_n3A_340 = arith.select %and3A_337, %sub3A_339, %div3A_318 : i32
      %jit3A_341 = arith.constant 64 : i32
      %eq3A_342 = arith.constant 0 : i32
      %eq3A_343 = arith.cmpi eq, %jit3A_341, %eq3A_342 : i32
      %jit3A_344 = arith.constant 1 : i32
      %select_n3A_345 = arith.select %eq3A_343, %jit3A_344, %jit3A_341 : i32
      %rem3A_346 = arith.remsi %add3A_316, %select_n3A_345 : i32
      %ne3A_347 = arith.constant 0 : i32
      %ne3A_348 = arith.cmpi ne, %rem3A_346, %ne3A_347 : i32
      %lt3A_349 = arith.constant 0 : i32
      %lt3A_350 = arith.cmpi slt, %rem3A_346, %lt3A_349 : i32
      %lt3A_351 = arith.constant 0 : i32
      %lt3A_352 = arith.cmpi slt, %select_n3A_345, %lt3A_351 : i32
      %ne3A_353 = arith.xori %lt3A_350, %lt3A_352 : i1
      %and3A_354 = arith.andi %ne3A_353, %ne3A_348 : i1
      %add3A_355 = arith.addi %rem3A_346, %select_n3A_345 : i32
      %select_n3A_356 = arith.select %and3A_354, %add3A_355, %rem3A_346 : i32
      %mul3A_357 = arith.constant 16 : i32
      %mul3A_358 = arith.muli %select_n3A_356, %mul3A_357 : i32
      %swap3A_359 = arith.index_cast %select_n3A_340 : i32 to index
      %swap3A_360 = arith.index_cast %mul3A_358 : i32 to index
      %swap3A_361 = tpu.vector_load %arg5[%swap3A_359, %swap3A_360] {strides = array<i32>} : memref<32x1024xf32, #tpu.memory_space<vmem>>, vector<16xf32>,
      tpu.vector_store %arg5[%swap3A_359, %swap3A_360], %broadcast_in_dim3A_6 {strides = array<i32>} : memref<32x1024xf32, #tpu.memory_space<vmem>>, vector<16xf32>,
      %mul3A_362 = arith.constant 16 : i32
      %mul3A_363 = arith.muli %scan3A_29, %mul3A_362 : i32
      %add3A_364 = arith.constant 7 : i32
      %add3A_365 = arith.addi %mul3A_363, %add3A_364 : i32
      %jit3A_366 = arith.constant 64 : i32
      %div3A_367 = arith.divsi %add3A_365, %jit3A_366 : i32
      %sign3A_368 = arith.constant 0 : i32
      %sign3A_369 = arith.cmpi sgt, %add3A_365, %sign3A_368 : i32
      %sign3A_370 = arith.extui %sign3A_369 : i1 to i32
      %sign3A_371 = arith.constant 0 : i32
      %sign3A_372 = arith.cmpi slt, %add3A_365, %sign3A_371 : i32
      %sign3A_373 = arith.extui %sign3A_372 : i1 to i32
      %sign3A_374 = arith.subi %sign3A_370, %sign3A_373 : i32
      %sign3A_375 = arith.constant 0 : i32
      %sign3A_376 = arith.cmpi sgt, %jit3A_366, %sign3A_375 : i32
      %sign3A_377 = arith.extui %sign3A_376 : i1 to i32
      %sign3A_378 = arith.constant 0 : i32
      %sign3A_379 = arith.cmpi slt, %jit3A_366, %sign3A_378 : i32
      %sign3A_380 = arith.extui %sign3A_379 : i1 to i32
      %sign3A_381 = arith.subi %sign3A_377, %sign3A_380 : i32
      %ne3A_382 = arith.cmpi ne, %sign3A_374, %sign3A_381 : i32
      %rem3A_383 = arith.remsi %add3A_365, %jit3A_366 : i32
      %ne3A_384 = arith.constant 0 : i32
      %ne3A_385 = arith.cmpi ne, %rem3A_383, %ne3A_384 : i32
      %and3A_386 = arith.andi %ne3A_382, %ne3A_385 : i1
      %sub3A_387 = arith.constant 1 : i32
      %sub3A_388 = arith.subi %div3A_367, %sub3A_387 : i32
      %select_n3A_389 = arith.select %and3A_386, %sub3A_388, %div3A_367 : i32
      %jit3A_390 = arith.constant 64 : i32
      %eq3A_391 = arith.constant 0 : i32
      %eq3A_392 = arith.cmpi eq, %jit3A_390, %eq3A_391 : i32
      %jit3A_393 = arith.constant 1 : i32
      %select_n3A_394 = arith.select %eq3A_392, %jit3A_393, %jit3A_390 : i32
      %rem3A_395 = arith.remsi %add3A_365, %select_n3A_394 : i32
      %ne3A_396 = arith.constant 0 : i32
      %ne3A_397 = arith.cmpi ne, %rem3A_395, %ne3A_396 : i32
      %lt3A_398 = arith.constant 0 : i32
      %lt3A_399 = arith.cmpi slt, %rem3A_395, %lt3A_398 : i32
      %lt3A_400 = arith.constant 0 : i32
      %lt3A_401 = arith.cmpi slt, %select_n3A_394, %lt3A_400 : i32
      %ne3A_402 = arith.xori %lt3A_399, %lt3A_401 : i1
      %and3A_403 = arith.andi %ne3A_402, %ne3A_397 : i1
      %add3A_404 = arith.addi %rem3A_395, %select_n3A_394 : i32
      %select_n3A_405 = arith.select %and3A_403, %add3A_404, %rem3A_395 : i32
      %mul3A_406 = arith.constant 16 : i32
      %mul3A_407 = arith.muli %select_n3A_405, %mul3A_406 : i32
      %swap3A_408 = arith.index_cast %select_n3A_389 : i32 to index
      %swap3A_409 = arith.index_cast %mul3A_407 : i32 to index
      %swap3A_410 = tpu.vector_load %arg5[%swap3A_408, %swap3A_409] {strides = array<i32>} : memref<32x1024xf32, #tpu.memory_space<vmem>>, vector<16xf32>,
      tpu.vector_store %arg5[%swap3A_408, %swap3A_409], %broadcast_in_dim3A_6 {strides = array<i32>} : memref<32x1024xf32, #tpu.memory_space<vmem>>, vector<16xf32>,
      %mul3A_411 = arith.constant 16 : i32
      %mul3A_412 = arith.muli %scan3A_29, %mul3A_411 : i32
      %add3A_413 = arith.constant 8 : i32
      %add3A_414 = arith.addi %mul3A_412, %add3A_413 : i32
      %jit3A_415 = arith.constant 64 : i32
      %div3A_416 = arith.divsi %add3A_414, %jit3A_415 : i32
      %sign3A_417 = arith.constant 0 : i32
      %sign3A_418 = arith.cmpi sgt, %add3A_414, %sign3A_417 : i32
      %sign3A_419 = arith.extui %sign3A_418 : i1 to i32
      %sign3A_420 = arith.constant 0 : i32
      %sign3A_421 = arith.cmpi slt, %add3A_414, %sign3A_420 : i32
      %sign3A_422 = arith.extui %sign3A_421 : i1 to i32
      %sign3A_423 = arith.subi %sign3A_419, %sign3A_422 : i32
      %sign3A_424 = arith.constant 0 : i32
      %sign3A_425 = arith.cmpi sgt, %jit3A_415, %sign3A_424 : i32
      %sign3A_426 = arith.extui %sign3A_425 : i1 to i32
      %sign3A_427 = arith.constant 0 : i32
      %sign3A_428 = arith.cmpi slt, %jit3A_415, %sign3A_427 : i32
      %sign3A_429 = arith.extui %sign3A_428 : i1 to i32
      %sign3A_430 = arith.subi %sign3A_426, %sign3A_429 : i32
      %ne3A_431 = arith.cmpi ne, %sign3A_423, %sign3A_430 : i32
      %rem3A_432 = arith.remsi %add3A_414, %jit3A_415 : i32
      %ne3A_433 = arith.constant 0 : i32
      %ne3A_434 = arith.cmpi ne, %rem3A_432, %ne3A_433 : i32
      %and3A_435 = arith.andi %ne3A_431, %ne3A_434 : i1
      %sub3A_436 = arith.constant 1 : i32
      %sub3A_437 = arith.subi %div3A_416, %sub3A_436 : i32
      %select_n3A_438 = arith.select %and3A_435, %sub3A_437, %div3A_416 : i32
      %jit3A_439 = arith.constant 64 : i32
      %eq3A_440 = arith.constant 0 : i32
      %eq3A_441 = arith.cmpi eq, %jit3A_439, %eq3A_440 : i32
      %jit3A_442 = arith.constant 1 : i32
      %select_n3A_443 = arith.select %eq3A_441, %jit3A_442, %jit3A_439 : i32
      %rem3A_444 = arith.remsi %add3A_414, %select_n3A_443 : i32
      %ne3A_445 = arith.constant 0 : i32
      %ne3A_446 = arith.cmpi ne, %rem3A_444, %ne3A_445 : i32
      %lt3A_447 = arith.constant 0 : i32
      %lt3A_448 = arith.cmpi slt, %rem3A_444, %lt3A_447 : i32
      %lt3A_449 = arith.constant 0 : i32
      %lt3A_450 = arith.cmpi slt, %select_n3A_443, %lt3A_449 : i32
      %ne3A_451 = arith.xori %lt3A_448, %lt3A_450 : i1
      %and3A_452 = arith.andi %ne3A_451, %ne3A_446 : i1
      %add3A_453 = arith.addi %rem3A_444, %select_n3A_443 : i32
      %select_n3A_454 = arith.select %and3A_452, %add3A_453, %rem3A_444 : i32
      %mul3A_455 = arith.constant 16 : i32
      %mul3A_456 = arith.muli %select_n3A_454, %mul3A_455 : i32
      %swap3A_457 = arith.index_cast %select_n3A_438 : i32 to index
      %swap3A_458 = arith.index_cast %mul3A_456 : i32 to index
      %swap3A_459 = tpu.vector_load %arg5[%swap3A_457, %swap3A_458] {strides = array<i32>} : memref<32x1024xf32, #tpu.memory_space<vmem>>, vector<16xf32>,
      tpu.vector_store %arg5[%swap3A_457, %swap3A_458], %broadcast_in_dim3A_6 {strides = array<i32>} : memref<32x1024xf32, #tpu.memory_space<vmem>>, vector<16xf32>,
      %mul3A_460 = arith.constant 16 : i32
      %mul3A_461 = arith.muli %scan3A_29, %mul3A_460 : i32
      %add3A_462 = arith.constant 9 : i32
      %add3A_463 = arith.addi %mul3A_461, %add3A_462 : i32
      %jit3A_464 = arith.constant 64 : i32
      %div3A_465 = arith.divsi %add3A_463, %jit3A_464 : i32
      %sign3A_466 = arith.constant 0 : i32
      %sign3A_467 = arith.cmpi sgt, %add3A_463, %sign3A_466 : i32
      %sign3A_468 = arith.extui %sign3A_467 : i1 to i32
      %sign3A_469 = arith.constant 0 : i32
      %sign3A_470 = arith.cmpi slt, %add3A_463, %sign3A_469 : i32
      %sign3A_471 = arith.extui %sign3A_470 : i1 to i32
      %sign3A_472 = arith.subi %sign3A_468, %sign3A_471 : i32
      %sign3A_473 = arith.constant 0 : i32
      %sign3A_474 = arith.cmpi sgt, %jit3A_464, %sign3A_473 : i32
      %sign3A_475 = arith.extui %sign3A_474 : i1 to i32
      %sign3A_476 = arith.constant 0 : i32
      %sign3A_477 = arith.cmpi slt, %jit3A_464, %sign3A_476 : i32
      %sign3A_478 = arith.extui %sign3A_477 : i1 to i32
      %sign3A_479 = arith.subi %sign3A_475, %sign3A_478 : i32
      %ne3A_480 = arith.cmpi ne, %sign3A_472, %sign3A_479 : i32
      %rem3A_481 = arith.remsi %add3A_463, %jit3A_464 : i32
      %ne3A_482 = arith.constant 0 : i32
      %ne3A_483 = arith.cmpi ne, %rem3A_481, %ne3A_482 : i32
      %and3A_484 = arith.andi %ne3A_480, %ne3A_483 : i1
      %sub3A_485 = arith.constant 1 : i32
      %sub3A_486 = arith.subi %div3A_465, %sub3A_485 : i32
      %select_n3A_487 = arith.select %and3A_484, %sub3A_486, %div3A_465 : i32
      %jit3A_488 = arith.constant 64 : i32
      %eq3A_489 = arith.constant 0 : i32
      %eq3A_490 = arith.cmpi eq, %jit3A_488, %eq3A_489 : i32
      %jit3A_491 = arith.constant 1 : i32
      %select_n3A_492 = arith.select %eq3A_490, %jit3A_491, %jit3A_488 : i32
      %rem3A_493 = arith.remsi %add3A_463, %select_n3A_492 : i32
      %ne3A_494 = arith.constant 0 : i32
      %ne3A_495 = arith.cmpi ne, %rem3A_493, %ne3A_494 : i32
      %lt3A_496 = arith.constant 0 : i32
      %lt3A_497 = arith.cmpi slt, %rem3A_493, %lt3A_496 : i32
      %lt3A_498 = arith.constant 0 : i32
      %lt3A_499 = arith.cmpi slt, %select_n3A_492, %lt3A_498 : i32
      %ne3A_500 = arith.xori %lt3A_497, %lt3A_499 : i1
      %and3A_501 = arith.andi %ne3A_500, %ne3A_495 : i1
      %add3A_502 = arith.addi %rem3A_493, %select_n3A_492 : i32
      %select_n3A_503 = arith.select %and3A_501, %add3A_502, %rem3A_493 : i32
      %mul3A_504 = arith.constant 16 : i32
      %mul3A_505 = arith.muli %select_n3A_503, %mul3A_504 : i32
      %swap3A_506 = arith.index_cast %select_n3A_487 : i32 to index
      %swap3A_507 = arith.index_cast %mul3A_505 : i32 to index
      %swap3A_508 = tpu.vector_load %arg5[%swap3A_506, %swap3A_507] {strides = array<i32>} : memref<32x1024xf32, #tpu.memory_space<vmem>>, vector<16xf32>,
      tpu.vector_store %arg5[%swap3A_506, %swap3A_507], %broadcast_in_dim3A_6 {strides = array<i32>} : memref<32x1024xf32, #tpu.memory_space<vmem>>, vector<16xf32>,
      %mul3A_509 = arith.constant 16 : i32
      %mul3A_510 = arith.muli %scan3A_29, %mul3A_509 : i32
      %add3A_511 = arith.constant 10 : i32
      %add3A_512 = arith.addi %mul3A_510, %add3A_511 : i32
      %jit3A_513 = arith.constant 64 : i32
      %div3A_514 = arith.divsi %add3A_512, %jit3A_513 : i32
      %sign3A_515 = arith.constant 0 : i32
      %sign3A_516 = arith.cmpi sgt, %add3A_512, %sign3A_515 : i32
      %sign3A_517 = arith.extui %sign3A_516 : i1 to i32
      %sign3A_518 = arith.constant 0 : i32
      %sign3A_519 = arith.cmpi slt, %add3A_512, %sign3A_518 : i32
      %sign3A_520 = arith.extui %sign3A_519 : i1 to i32
      %sign3A_521 = arith.subi %sign3A_517, %sign3A_520 : i32
      %sign3A_522 = arith.constant 0 : i32
      %sign3A_523 = arith.cmpi sgt, %jit3A_513, %sign3A_522 : i32
      %sign3A_524 = arith.extui %sign3A_523 : i1 to i32
      %sign3A_525 = arith.constant 0 : i32
      %sign3A_526 = arith.cmpi slt, %jit3A_513, %sign3A_525 : i32
      %sign3A_527 = arith.extui %sign3A_526 : i1 to i32
      %sign3A_528 = arith.subi %sign3A_524, %sign3A_527 : i32
      %ne3A_529 = arith.cmpi ne, %sign3A_521, %sign3A_528 : i32
      %rem3A_530 = arith.remsi %add3A_512, %jit3A_513 : i32
      %ne3A_531 = arith.constant 0 : i32
      %ne3A_532 = arith.cmpi ne, %rem3A_530, %ne3A_531 : i32
      %and3A_533 = arith.andi %ne3A_529, %ne3A_532 : i1
      %sub3A_534 = arith.constant 1 : i32
      %sub3A_535 = arith.subi %div3A_514, %sub3A_534 : i32
      %select_n3A_536 = arith.select %and3A_533, %sub3A_535, %div3A_514 : i32
      %jit3A_537 = arith.constant 64 : i32
      %eq3A_538 = arith.constant 0 : i32
      %eq3A_539 = arith.cmpi eq, %jit3A_537, %eq3A_538 : i32
      %jit3A_540 = arith.constant 1 : i32
      %select_n3A_541 = arith.select %eq3A_539, %jit3A_540, %jit3A_537 : i32
      %rem3A_542 = arith.remsi %add3A_512, %select_n3A_541 : i32
      %ne3A_543 = arith.constant 0 : i32
      %ne3A_544 = arith.cmpi ne, %rem3A_542, %ne3A_543 : i32
      %lt3A_545 = arith.constant 0 : i32
      %lt3A_546 = arith.cmpi slt, %rem3A_542, %lt3A_545 : i32
      %lt3A_547 = arith.constant 0 : i32
      %lt3A_548 = arith.cmpi slt, %select_n3A_541, %lt3A_547 : i32
      %ne3A_549 = arith.xori %lt3A_546, %lt3A_548 : i1
      %and3A_550 = arith.andi %ne3A_549, %ne3A_544 : i1
      %add3A_551 = arith.addi %rem3A_542, %select_n3A_541 : i32
      %select_n3A_552 = arith.select %and3A_550, %add3A_551, %rem3A_542 : i32
      %mul3A_553 = arith.constant 16 : i32
      %mul3A_554 = arith.muli %select_n3A_552, %mul3A_553 : i32
      %swap3A_555 = arith.index_cast %select_n3A_536 : i32 to index
      %swap3A_556 = arith.index_cast %mul3A_554 : i32 to index
      %swap3A_557 = tpu.vector_load %arg5[%swap3A_555, %swap3A_556] {strides = array<i32>} : memref<32x1024xf32, #tpu.memory_space<vmem>>, vector<16xf32>,
      tpu.vector_store %arg5[%swap3A_555, %swap3A_556], %broadcast_in_dim3A_6 {strides = array<i32>} : memref<32x1024xf32, #tpu.memory_space<vmem>>, vector<16xf32>,
      %mul3A_558 = arith.constant 16 : i32
      %mul3A_559 = arith.muli %scan3A_29, %mul3A_558 : i32
      %add3A_560 = arith.constant 11 : i32
      %add3A_561 = arith.addi %mul3A_559, %add3A_560 : i32
      %jit3A_562 = arith.constant 64 : i32
      %div3A_563 = arith.divsi %add3A_561, %jit3A_562 : i32
      %sign3A_564 = arith.constant 0 : i32
      %sign3A_565 = arith.cmpi sgt, %add3A_561, %sign3A_564 : i32
      %sign3A_566 = arith.extui %sign3A_565 : i1 to i32
      %sign3A_567 = arith.constant 0 : i32
      %sign3A_568 = arith.cmpi slt, %add3A_561, %sign3A_567 : i32
      %sign3A_569 = arith.extui %sign3A_568 : i1 to i32
      %sign3A_570 = arith.subi %sign3A_566, %sign3A_569 : i32
      %sign3A_571 = arith.constant 0 : i32
      %sign3A_572 = arith.cmpi sgt, %jit3A_562, %sign3A_571 : i32
      %sign3A_573 = arith.extui %sign3A_572 : i1 to i32
      %sign3A_574 = arith.constant 0 : i32
      %sign3A_575 = arith.cmpi slt, %jit3A_562, %sign3A_574 : i32
      %sign3A_576 = arith.extui %sign3A_575 : i1 to i32
      %sign3A_577 = arith.subi %sign3A_573, %sign3A_576 : i32
      %ne3A_578 = arith.cmpi ne, %sign3A_570, %sign3A_577 : i32
      %rem3A_579 = arith.remsi %add3A_561, %jit3A_562 : i32
      %ne3A_580 = arith.constant 0 : i32
      %ne3A_581 = arith.cmpi ne, %rem3A_579, %ne3A_580 : i32
      %and3A_582 = arith.andi %ne3A_578, %ne3A_581 : i1
      %sub3A_583 = arith.constant 1 : i32
      %sub3A_584 = arith.subi %div3A_563, %sub3A_583 : i32
      %select_n3A_585 = arith.select %and3A_582, %sub3A_584, %div3A_563 : i32
      %jit3A_586 = arith.constant 64 : i32
      %eq3A_587 = arith.constant 0 : i32
      %eq3A_588 = arith.cmpi eq, %jit3A_586, %eq3A_587 : i32
      %jit3A_589 = arith.constant 1 : i32
      %select_n3A_590 = arith.select %eq3A_588, %jit3A_589, %jit3A_586 : i32
      %rem3A_591 = arith.remsi %add3A_561, %select_n3A_590 : i32
      %ne3A_592 = arith.constant 0 : i32
      %ne3A_593 = arith.cmpi ne, %rem3A_591, %ne3A_592 : i32
      %lt3A_594 = arith.constant 0 : i32
      %lt3A_595 = arith.cmpi slt, %rem3A_591, %lt3A_594 : i32
      %lt3A_596 = arith.constant 0 : i32
      %lt3A_597 = arith.cmpi slt, %select_n3A_590, %lt3A_596 : i32
      %ne3A_598 = arith.xori %lt3A_595, %lt3A_597 : i1
      %and3A_599 = arith.andi %ne3A_598, %ne3A_593 : i1
      %add3A_600 = arith.addi %rem3A_591, %select_n3A_590 : i32
      %select_n3A_601 = arith.select %and3A_599, %add3A_600, %rem3A_591 : i32
      %mul3A_602 = arith.constant 16 : i32
      %mul3A_603 = arith.muli %select_n3A_601, %mul3A_602 : i32
      %swap3A_604 = arith.index_cast %select_n3A_585 : i32 to index
      %swap3A_605 = arith.index_cast %mul3A_603 : i32 to index
      %swap3A_606 = tpu.vector_load %arg5[%swap3A_604, %swap3A_605] {strides = array<i32>} : memref<32x1024xf32, #tpu.memory_space<vmem>>, vector<16xf32>,
      tpu.vector_store %arg5[%swap3A_604, %swap3A_605], %broadcast_in_dim3A_6 {strides = array<i32>} : memref<32x1024xf32, #tpu.memory_space<vmem>>, vector<16xf32>,
      %mul3A_607 = arith.constant 16 : i32
      %mul3A_608 = arith.muli %scan3A_29, %mul3A_607 : i32
      %add3A_609 = arith.constant 12 : i32
      %add3A_610 = arith.addi %mul3A_608, %add3A_609 : i32
      %jit3A_611 = arith.constant 64 : i32
      %div3A_612 = arith.divsi %add3A_610, %jit3A_611 : i32
      %sign3A_613 = arith.constant 0 : i32
      %sign3A_614 = arith.cmpi sgt, %add3A_610, %sign3A_613 : i32
      %sign3A_615 = arith.extui %sign3A_614 : i1 to i32
      %sign3A_616 = arith.constant 0 : i32
      %sign3A_617 = arith.cmpi slt, %add3A_610, %sign3A_616 : i32
      %sign3A_618 = arith.extui %sign3A_617 : i1 to i32
      %sign3A_619 = arith.subi %sign3A_615, %sign3A_618 : i32
      %sign3A_620 = arith.constant 0 : i32
      %sign3A_621 = arith.cmpi sgt, %jit3A_611, %sign3A_620 : i32
      %sign3A_622 = arith.extui %sign3A_621 : i1 to i32
      %sign3A_623 = arith.constant 0 : i32
      %sign3A_624 = arith.cmpi slt, %jit3A_611, %sign3A_623 : i32
      %sign3A_625 = arith.extui %sign3A_624 : i1 to i32
      %sign3A_626 = arith.subi %sign3A_622, %sign3A_625 : i32
      %ne3A_627 = arith.cmpi ne, %sign3A_619, %sign3A_626 : i32
      %rem3A_628 = arith.remsi %add3A_610, %jit3A_611 : i32
      %ne3A_629 = arith.constant 0 : i32
      %ne3A_630 = arith.cmpi ne, %rem3A_628, %ne3A_629 : i32
      %and3A_631 = arith.andi %ne3A_627, %ne3A_630 : i1
      %sub3A_632 = arith.constant 1 : i32
      %sub3A_633 = arith.subi %div3A_612, %sub3A_632 : i32
      %select_n3A_634 = arith.select %and3A_631, %sub3A_633, %div3A_612 : i32
      %jit3A_635 = arith.constant 64 : i32
      %eq3A_636 = arith.constant 0 : i32
      %eq3A_637 = arith.cmpi eq, %jit3A_635, %eq3A_636 : i32
      %jit3A_638 = arith.constant 1 : i32
      %select_n3A_639 = arith.select %eq3A_637, %jit3A_638, %jit3A_635 : i32
      %rem3A_640 = arith.remsi %add3A_610, %select_n3A_639 : i32
      %ne3A_641 = arith.constant 0 : i32
      %ne3A_642 = arith.cmpi ne, %rem3A_640, %ne3A_641 : i32
      %lt3A_643 = arith.constant 0 : i32
      %lt3A_644 = arith.cmpi slt, %rem3A_640, %lt3A_643 : i32
      %lt3A_645 = arith.constant 0 : i32
      %lt3A_646 = arith.cmpi slt, %select_n3A_639, %lt3A_645 : i32
      %ne3A_647 = arith.xori %lt3A_644, %lt3A_646 : i1
      %and3A_648 = arith.andi %ne3A_647, %ne3A_642 : i1
      %add3A_649 = arith.addi %rem3A_640, %select_n3A_639 : i32
      %select_n3A_650 = arith.select %and3A_648, %add3A_649, %rem3A_640 : i32
      %mul3A_651 = arith.constant 16 : i32
      %mul3A_652 = arith.muli %select_n3A_650, %mul3A_651 : i32
      %swap3A_653 = arith.index_cast %select_n3A_634 : i32 to index
      %swap3A_654 = arith.index_cast %mul3A_652 : i32 to index
      %swap3A_655 = tpu.vector_load %arg5[%swap3A_653, %swap3A_654] {strides = array<i32>} : memref<32x1024xf32, #tpu.memory_space<vmem>>, vector<16xf32>,
      tpu.vector_store %arg5[%swap3A_653, %swap3A_654], %broadcast_in_dim3A_6 {strides = array<i32>} : memref<32x1024xf32, #tpu.memory_space<vmem>>, vector<16xf32>,
      %mul3A_656 = arith.constant 16 : i32
      %mul3A_657 = arith.muli %scan3A_29, %mul3A_656 : i32
      %add3A_658 = arith.constant 13 : i32
      %add3A_659 = arith.addi %mul3A_657, %add3A_658 : i32
      %jit3A_660 = arith.constant 64 : i32
      %div3A_661 = arith.divsi %add3A_659, %jit3A_660 : i32
      %sign3A_662 = arith.constant 0 : i32
      %sign3A_663 = arith.cmpi sgt, %add3A_659, %sign3A_662 : i32
      %sign3A_664 = arith.extui %sign3A_663 : i1 to i32
      %sign3A_665 = arith.constant 0 : i32
      %sign3A_666 = arith.cmpi slt, %add3A_659, %sign3A_665 : i32
      %sign3A_667 = arith.extui %sign3A_666 : i1 to i32
      %sign3A_668 = arith.subi %sign3A_664, %sign3A_667 : i32
      %sign3A_669 = arith.constant 0 : i32
      %sign3A_670 = arith.cmpi sgt, %jit3A_660, %sign3A_669 : i32
      %sign3A_671 = arith.extui %sign3A_670 : i1 to i32
      %sign3A_672 = arith.constant 0 : i32
      %sign3A_673 = arith.cmpi slt, %jit3A_660, %sign3A_672 : i32
      %sign3A_674 = arith.extui %sign3A_673 : i1 to i32
      %sign3A_675 = arith.subi %sign3A_671, %sign3A_674 : i32
      %ne3A_676 = arith.cmpi ne, %sign3A_668, %sign3A_675 : i32
      %rem3A_677 = arith.remsi %add3A_659, %jit3A_660 : i32
      %ne3A_678 = arith.constant 0 : i32
      %ne3A_679 = arith.cmpi ne, %rem3A_677, %ne3A_678 : i32
      %and3A_680 = arith.andi %ne3A_676, %ne3A_679 : i1
      %sub3A_681 = arith.constant 1 : i32
      %sub3A_682 = arith.subi %div3A_661, %sub3A_681 : i32
      %select_n3A_683 = arith.select %and3A_680, %sub3A_682, %div3A_661 : i32
      %jit3A_684 = arith.constant 64 : i32
      %eq3A_685 = arith.constant 0 : i32
      %eq3A_686 = arith.cmpi eq, %jit3A_684, %eq3A_685 : i32
      %jit3A_687 = arith.constant 1 : i32
      %select_n3A_688 = arith.select %eq3A_686, %jit3A_687, %jit3A_684 : i32
      %rem3A_689 = arith.remsi %add3A_659, %select_n3A_688 : i32
      %ne3A_690 = arith.constant 0 : i32
      %ne3A_691 = arith.cmpi ne, %rem3A_689, %ne3A_690 : i32
      %lt3A_692 = arith.constant 0 : i32
      %lt3A_693 = arith.cmpi slt, %rem3A_689, %lt3A_692 : i32
      %lt3A_694 = arith.constant 0 : i32
      %lt3A_695 = arith.cmpi slt, %select_n3A_688, %lt3A_694 : i32
      %ne3A_696 = arith.xori %lt3A_693, %lt3A_695 : i1
      %and3A_697 = arith.andi %ne3A_696, %ne3A_691 : i1
      %add3A_698 = arith.addi %rem3A_689, %select_n3A_688 : i32
      %select_n3A_699 = arith.select %and3A_697, %add3A_698, %rem3A_689 : i32
      %mul3A_700 = arith.constant 16 : i32
      %mul3A_701 = arith.muli %select_n3A_699, %mul3A_700 : i32
      %swap3A_702 = arith.index_cast %select_n3A_683 : i32 to index
      %swap3A_703 = arith.index_cast %mul3A_701 : i32 to index
      %swap3A_704 = tpu.vector_load %arg5[%swap3A_702, %swap3A_703] {strides = array<i32>} : memref<32x1024xf32, #tpu.memory_space<vmem>>, vector<16xf32>,
      tpu.vector_store %arg5[%swap3A_702, %swap3A_703], %broadcast_in_dim3A_6 {strides = array<i32>} : memref<32x1024xf32, #tpu.memory_space<vmem>>, vector<16xf32>,
      %mul3A_705 = arith.constant 16 : i32
      %mul3A_706 = arith.muli %scan3A_29, %mul3A_705 : i32
      %add3A_707 = arith.constant 14 : i32
      %add3A_708 = arith.addi %mul3A_706, %add3A_707 : i32
      %jit3A_709 = arith.constant 64 : i32
      %div3A_710 = arith.divsi %add3A_708, %jit3A_709 : i32
      %sign3A_711 = arith.constant 0 : i32
      %sign3A_712 = arith.cmpi sgt, %add3A_708, %sign3A_711 : i32
      %sign3A_713 = arith.extui %sign3A_712 : i1 to i32
      %sign3A_714 = arith.constant 0 : i32
      %sign3A_715 = arith.cmpi slt, %add3A_708, %sign3A_714 : i32
      %sign3A_716 = arith.extui %sign3A_715 : i1 to i32
      %sign3A_717 = arith.subi %sign3A_713, %sign3A_716 : i32
      %sign3A_718 = arith.constant 0 : i32
      %sign3A_719 = arith.cmpi sgt, %jit3A_709, %sign3A_718 : i32
      %sign3A_720 = arith.extui %sign3A_719 : i1 to i32
      %sign3A_721 = arith.constant 0 : i32
      %sign3A_722 = arith.cmpi slt, %jit3A_709, %sign3A_721 : i32
      %sign3A_723 = arith.extui %sign3A_722 : i1 to i32
      %sign3A_724 = arith.subi %sign3A_720, %sign3A_723 : i32
      %ne3A_725 = arith.cmpi ne, %sign3A_717, %sign3A_724 : i32
      %rem3A_726 = arith.remsi %add3A_708, %jit3A_709 : i32
      %ne3A_727 = arith.constant 0 : i32
      %ne3A_728 = arith.cmpi ne, %rem3A_726, %ne3A_727 : i32
      %and3A_729 = arith.andi %ne3A_725, %ne3A_728 : i1
      %sub3A_730 = arith.constant 1 : i32
      %sub3A_731 = arith.subi %div3A_710, %sub3A_730 : i32
      %select_n3A_732 = arith.select %and3A_729, %sub3A_731, %div3A_710 : i32
      %jit3A_733 = arith.constant 64 : i32
      %eq3A_734 = arith.constant 0 : i32
      %eq3A_735 = arith.cmpi eq, %jit3A_733, %eq3A_734 : i32
      %jit3A_736 = arith.constant 1 : i32
      %select_n3A_737 = arith.select %eq3A_735, %jit3A_736, %jit3A_733 : i32
      %rem3A_738 = arith.remsi %add3A_708, %select_n3A_737 : i32
      %ne3A_739 = arith.constant 0 : i32
      %ne3A_740 = arith.cmpi ne, %rem3A_738, %ne3A_739 : i32
      %lt3A_741 = arith.constant 0 : i32
      %lt3A_742 = arith.cmpi slt, %rem3A_738, %lt3A_741 : i32
      %lt3A_743 = arith.constant 0 : i32
      %lt3A_744 = arith.cmpi slt, %select_n3A_737, %lt3A_743 : i32
      %ne3A_745 = arith.xori %lt3A_742, %lt3A_744 : i1
      %and3A_746 = arith.andi %ne3A_745, %ne3A_740 : i1
      %add3A_747 = arith.addi %rem3A_738, %select_n3A_737 : i32
      %select_n3A_748 = arith.select %and3A_746, %add3A_747, %rem3A_738 : i32
      %mul3A_749 = arith.constant 16 : i32
      %mul3A_750 = arith.muli %select_n3A_748, %mul3A_749 : i32
      %swap3A_751 = arith.index_cast %select_n3A_732 : i32 to index
      %swap3A_752 = arith.index_cast %mul3A_750 : i32 to index
      %swap3A_753 = tpu.vector_load %arg5[%swap3A_751, %swap3A_752] {strides = array<i32>} : memref<32x1024xf32, #tpu.memory_space<vmem>>, vector<16xf32>,
      tpu.vector_store %arg5[%swap3A_751, %swap3A_752], %broadcast_in_dim3A_6 {strides = array<i32>} : memref<32x1024xf32, #tpu.memory_space<vmem>>, vector<16xf32>,
      %mul3A_754 = arith.constant 16 : i32
      %mul3A_755 = arith.muli %scan3A_29, %mul3A_754 : i32
      %add3A_756 = arith.constant 15 : i32
      %add3A_757 = arith.addi %mul3A_755, %add3A_756 : i32
      %jit3A_758 = arith.constant 64 : i32
      %div3A_759 = arith.divsi %add3A_757, %jit3A_758 : i32
      %sign3A_760 = arith.constant 0 : i32
      %sign3A_761 = arith.cmpi sgt, %add3A_757, %sign3A_760 : i32
      %sign3A_762 = arith.extui %sign3A_761 : i1 to i32
      %sign3A_763 = arith.constant 0 : i32
      %sign3A_764 = arith.cmpi slt, %add3A_757, %sign3A_763 : i32
      %sign3A_765 = arith.extui %sign3A_764 : i1 to i32
      %sign3A_766 = arith.subi %sign3A_762, %sign3A_765 : i32
      %sign3A_767 = arith.constant 0 : i32
      %sign3A_768 = arith.cmpi sgt, %jit3A_758, %sign3A_767 : i32
      %sign3A_769 = arith.extui %sign3A_768 : i1 to i32
      %sign3A_770 = arith.constant 0 : i32
      %sign3A_771 = arith.cmpi slt, %jit3A_758, %sign3A_770 : i32
      %sign3A_772 = arith.extui %sign3A_771 : i1 to i32
      %sign3A_773 = arith.subi %sign3A_769, %sign3A_772 : i32
      %ne3A_774 = arith.cmpi ne, %sign3A_766, %sign3A_773 : i32
      %rem3A_775 = arith.remsi %add3A_757, %jit3A_758 : i32
      %ne3A_776 = arith.constant 0 : i32
      %ne3A_777 = arith.cmpi ne, %rem3A_775, %ne3A_776 : i32
      %and3A_778 = arith.andi %ne3A_774, %ne3A_777 : i1
      %sub3A_779 = arith.constant 1 : i32
      %sub3A_780 = arith.subi %div3A_759, %sub3A_779 : i32
      %select_n3A_781 = arith.select %and3A_778, %sub3A_780, %div3A_759 : i32
      %jit3A_782 = arith.constant 64 : i32
      %eq3A_783 = arith.constant 0 : i32
      %eq3A_784 = arith.cmpi eq, %jit3A_782, %eq3A_783 : i32
      %jit3A_785 = arith.constant 1 : i32
      %select_n3A_786 = arith.select %eq3A_784, %jit3A_785, %jit3A_782 : i32
      %rem3A_787 = arith.remsi %add3A_757, %select_n3A_786 : i32
      %ne3A_788 = arith.constant 0 : i32
      %ne3A_789 = arith.cmpi ne, %rem3A_787, %ne3A_788 : i32
      %lt3A_790 = arith.constant 0 : i32
      %lt3A_791 = arith.cmpi slt, %rem3A_787, %lt3A_790 : i32
      %lt3A_792 = arith.constant 0 : i32
      %lt3A_793 = arith.cmpi slt, %select_n3A_786, %lt3A_792 : i32
      %ne3A_794 = arith.xori %lt3A_791, %lt3A_793 : i1
      %and3A_795 = arith.andi %ne3A_794, %ne3A_789 : i1
      %add3A_796 = arith.addi %rem3A_787, %select_n3A_786 : i32
      %select_n3A_797 = arith.select %and3A_795, %add3A_796, %rem3A_787 : i32
      %mul3A_798 = arith.constant 16 : i32
      %mul3A_799 = arith.muli %select_n3A_797, %mul3A_798 : i32
      %swap3A_800 = arith.index_cast %select_n3A_781 : i32 to index
      %swap3A_801 = arith.index_cast %mul3A_799 : i32 to index
      %swap3A_802 = tpu.vector_load %arg5[%swap3A_800, %swap3A_801] {strides = array<i32>} : memref<32x1024xf32, #tpu.memory_space<vmem>>, vector<16xf32>,
      tpu.vector_store %arg5[%swap3A_800, %swap3A_801], %broadcast_in_dim3A_6 {strides = array<i32>} : memref<32x1024xf32, #tpu.memory_space<vmem>>, vector<16xf32>,
    }
    %scan3A_11 = arith.constant 128 : i32
    %dma_wait3A = arith.constant 0 : i32
    %dma_wait3A_12 = tpu.memref_slice %arg2[%mul3A_2, %dma_wait3A] : memref<1024x200xi32, #tpu.memory_space<hbm>> -> memref<32x200xi32, #tpu.memory_space<hbm>>
    %dma_wait3A_13 = arith.constant 0 : i32
    %dma_wait3A_14 = tpu.memref_slice %arg2[%mul3A_2, %dma_wait3A_13] : memref<1024x200xi32, #tpu.memory_space<hbm>> -> memref<32x200xi32, #tpu.memory_space<hbm>>
    tpu.wait_dma2 semaphore(%arg6 : memref<!tpu.dma_semaphore, #tpu.memory_space<semaphore_mem>>) src(%dma_wait3A_14 : memref<32x200xi32, #tpu.memory_space<hbm>>) dst(%arg4 : memref<32x200xi32, #tpu.memory_space<vmem>>)
    %iota3A = tpu.iota {dimensions = array<i32: 0>} : vector<16xi32>
    %broadcast_in_dim3A_15 = arith.constant 1.000000e+00 : f32
    %broadcast_in_dim3A_16 = vector.broadcast %broadcast_in_dim3A_15 : f32 to vector<16xf32>
    %add3A_17 = arith.constant 0 : i32
    %add3A_18 = vector.broadcast %add3A_17 : i32 to vector<16xi32>
    %add3A_19 = arith.addi %iota3A, %add3A_18 : vector<16xi32>
    %add3A_20 = arith.constant 16 : i32
    %add3A_21 = vector.broadcast %add3A_20 : i32 to vector<16xi32>
    %add3A_22 = arith.addi %iota3A, %add3A_21 : vector<16xi32>
    %scan3A_23 = arith.constant 0 : i32
    %scan3A_24 = arith.constant 0 : i32
    %scan3A_25 = arith.constant 25 : i32
    %scan3A_26 = arith.addi %scan3A_24, %scan3A_25 : i32
    %scan3A_27 = arith.constant 1 : i32
    scf.for %scan3A_29 = %scan3A_24 to %scan3A_26 step %scan3A_27  : i32 {
      %mul3A_30 = arith.constant 8 : i32
      %mul3A_31 = arith.muli %scan3A_29, %mul3A_30 : i32
      %add3A_32 = arith.constant 0 : i32
      %add3A_33 = arith.addi %mul3A_31, %add3A_32 : i32
      %broadcast_in_dim3A_34 = vector.broadcast %add3A_33 : i32 to vector<16xi32>
      %gather3A = tpu.vector_load_idx %arg4[%add3A_19, %broadcast_in_dim3A_34] : memref<32x200xi32, #tpu.memory_space<vmem>>[vector<16xi32>, vector<16xi32>], vector<16xi32>,
      tpu.vector_store_idx %arg5[%add3A_19, %gather3A], %broadcast_in_dim3A_16 {add = true} : memref<32x1024xf32, #tpu.memory_space<vmem>>[vector<16xi32>, vector<16xi32>], vector<16xf32>,
      %gather3A_35 = tpu.vector_load_idx %arg4[%add3A_22, %broadcast_in_dim3A_34] : memref<32x200xi32, #tpu.memory_space<vmem>>[vector<16xi32>, vector<16xi32>], vector<16xi32>,
      tpu.vector_store_idx %arg5[%add3A_22, %gather3A_35], %broadcast_in_dim3A_16 {add = true} : memref<32x1024xf32, #tpu.memory_space<vmem>>[vector<16xi32>, vector<16xi32>], vector<16xf32>,
      %mul3A_36 = arith.constant 8 : i32
      %mul3A_37 = arith.muli %scan3A_29, %mul3A_36 : i32
      %add3A_38 = arith.constant 1 : i32
      %add3A_39 = arith.addi %mul3A_37, %add3A_38 : i32
      %broadcast_in_dim3A_40 = vector.broadcast %add3A_39 : i32 to vector<16xi32>
      %gather3A_41 = tpu.vector_load_idx %arg4[%add3A_19, %broadcast_in_dim3A_40] : memref<32x200xi32, #tpu.memory_space<vmem>>[vector<16xi32>, vector<16xi32>], vector<16xi32>,
      tpu.vector_store_idx %arg5[%add3A_19, %gather3A_41], %broadcast_in_dim3A_16 {add = true} : memref<32x1024xf32, #tpu.memory_space<vmem>>[vector<16xi32>, vector<16xi32>], vector<16xf32>,
      %gather3A_42 = tpu.vector_load_idx %arg4[%add3A_22, %broadcast_in_dim3A_40] : memref<32x200xi32, #tpu.memory_space<vmem>>[vector<16xi32>, vector<16xi32>], vector<16xi32>,
      tpu.vector_store_idx %arg5[%add3A_22, %gather3A_42], %broadcast_in_dim3A_16 {add = true} : memref<32x1024xf32, #tpu.memory_space<vmem>>[vector<16xi32>, vector<16xi32>], vector<16xf32>,
      %mul3A_43 = arith.constant 8 : i32
      %mul3A_44 = arith.muli %scan3A_29, %mul3A_43 : i32
      %add3A_45 = arith.constant 2 : i32
      %add3A_46 = arith.addi %mul3A_44, %add3A_45 : i32
      %broadcast_in_dim3A_47 = vector.broadcast %add3A_46 : i32 to vector<16xi32>
      %gather3A_48 = tpu.vector_load_idx %arg4[%add3A_19, %broadcast_in_dim3A_47] : memref<32x200xi32, #tpu.memory_space<vmem>>[vector<16xi32>, vector<16xi32>], vector<16xi32>,
      tpu.vector_store_idx %arg5[%add3A_19, %gather3A_48], %broadcast_in_dim3A_16 {add = true} : memref<32x1024xf32, #tpu.memory_space<vmem>>[vector<16xi32>, vector<16xi32>], vector<16xf32>,
      %gather3A_49 = tpu.vector_load_idx %arg4[%add3A_22, %broadcast_in_dim3A_47] : memref<32x200xi32, #tpu.memory_space<vmem>>[vector<16xi32>, vector<16xi32>], vector<16xi32>,
      tpu.vector_store_idx %arg5[%add3A_22, %gather3A_49], %broadcast_in_dim3A_16 {add = true} : memref<32x1024xf32, #tpu.memory_space<vmem>>[vector<16xi32>, vector<16xi32>], vector<16xf32>,
      %mul3A_50 = arith.constant 8 : i32
      %mul3A_51 = arith.muli %scan3A_29, %mul3A_50 : i32
      %add3A_52 = arith.constant 3 : i32
      %add3A_53 = arith.addi %mul3A_51, %add3A_52 : i32
      %broadcast_in_dim3A_54 = vector.broadcast %add3A_53 : i32 to vector<16xi32>
      %gather3A_55 = tpu.vector_load_idx %arg4[%add3A_19, %broadcast_in_dim3A_54] : memref<32x200xi32, #tpu.memory_space<vmem>>[vector<16xi32>, vector<16xi32>], vector<16xi32>,
      tpu.vector_store_idx %arg5[%add3A_19, %gather3A_55], %broadcast_in_dim3A_16 {add = true} : memref<32x1024xf32, #tpu.memory_space<vmem>>[vector<16xi32>, vector<16xi32>], vector<16xf32>,
      %gather3A_56 = tpu.vector_load_idx %arg4[%add3A_22, %broadcast_in_dim3A_54] : memref<32x200xi32, #tpu.memory_space<vmem>>[vector<16xi32>, vector<16xi32>], vector<16xi32>,
      tpu.vector_store_idx %arg5[%add3A_22, %gather3A_56], %broadcast_in_dim3A_16 {add = true} : memref<32x1024xf32, #tpu.memory_space<vmem>>[vector<16xi32>, vector<16xi32>], vector<16xf32>,
      %mul3A_57 = arith.constant 8 : i32
      %mul3A_58 = arith.muli %scan3A_29, %mul3A_57 : i32
      %add3A_59 = arith.constant 4 : i32
      %add3A_60 = arith.addi %mul3A_58, %add3A_59 : i32
      %broadcast_in_dim3A_61 = vector.broadcast %add3A_60 : i32 to vector<16xi32>
      %gather3A_62 = tpu.vector_load_idx %arg4[%add3A_19, %broadcast_in_dim3A_61] : memref<32x200xi32, #tpu.memory_space<vmem>>[vector<16xi32>, vector<16xi32>], vector<16xi32>,
      tpu.vector_store_idx %arg5[%add3A_19, %gather3A_62], %broadcast_in_dim3A_16 {add = true} : memref<32x1024xf32, #tpu.memory_space<vmem>>[vector<16xi32>, vector<16xi32>], vector<16xf32>,
      %gather3A_63 = tpu.vector_load_idx %arg4[%add3A_22, %broadcast_in_dim3A_61] : memref<32x200xi32, #tpu.memory_space<vmem>>[vector<16xi32>, vector<16xi32>], vector<16xi32>,
      tpu.vector_store_idx %arg5[%add3A_22, %gather3A_63], %broadcast_in_dim3A_16 {add = true} : memref<32x1024xf32, #tpu.memory_space<vmem>>[vector<16xi32>, vector<16xi32>], vector<16xf32>,
      %mul3A_64 = arith.constant 8 : i32
      %mul3A_65 = arith.muli %scan3A_29, %mul3A_64 : i32
      %add3A_66 = arith.constant 5 : i32
      %add3A_67 = arith.addi %mul3A_65, %add3A_66 : i32
      %broadcast_in_dim3A_68 = vector.broadcast %add3A_67 : i32 to vector<16xi32>
      %gather3A_69 = tpu.vector_load_idx %arg4[%add3A_19, %broadcast_in_dim3A_68] : memref<32x200xi32, #tpu.memory_space<vmem>>[vector<16xi32>, vector<16xi32>], vector<16xi32>,
      tpu.vector_store_idx %arg5[%add3A_19, %gather3A_69], %broadcast_in_dim3A_16 {add = true} : memref<32x1024xf32, #tpu.memory_space<vmem>>[vector<16xi32>, vector<16xi32>], vector<16xf32>,
      %gather3A_70 = tpu.vector_load_idx %arg4[%add3A_22, %broadcast_in_dim3A_68] : memref<32x200xi32, #tpu.memory_space<vmem>>[vector<16xi32>, vector<16xi32>], vector<16xi32>,
      tpu.vector_store_idx %arg5[%add3A_22, %gather3A_70], %broadcast_in_dim3A_16 {add = true} : memref<32x1024xf32, #tpu.memory_space<vmem>>[vector<16xi32>, vector<16xi32>], vector<16xf32>,
      %mul3A_71 = arith.constant 8 : i32
      %mul3A_72 = arith.muli %scan3A_29, %mul3A_71 : i32
      %add3A_73 = arith.constant 6 : i32
      %add3A_74 = arith.addi %mul3A_72, %add3A_73 : i32
      %broadcast_in_dim3A_75 = vector.broadcast %add3A_74 : i32 to vector<16xi32>
      %gather3A_76 = tpu.vector_load_idx %arg4[%add3A_19, %broadcast_in_dim3A_75] : memref<32x200xi32, #tpu.memory_space<vmem>>[vector<16xi32>, vector<16xi32>], vector<16xi32>,
      tpu.vector_store_idx %arg5[%add3A_19, %gather3A_76], %broadcast_in_dim3A_16 {add = true} : memref<32x1024xf32, #tpu.memory_space<vmem>>[vector<16xi32>, vector<16xi32>], vector<16xf32>,
      %gather3A_77 = tpu.vector_load_idx %arg4[%add3A_22, %broadcast_in_dim3A_75] : memref<32x200xi32, #tpu.memory_space<vmem>>[vector<16xi32>, vector<16xi32>], vector<16xi32>,
      tpu.vector_store_idx %arg5[%add3A_22, %gather3A_77], %broadcast_in_dim3A_16 {add = true} : memref<32x1024xf32, #tpu.memory_space<vmem>>[vector<16xi32>, vector<16xi32>], vector<16xf32>,
      %mul3A_78 = arith.constant 8 : i32
      %mul3A_79 = arith.muli %scan3A_29, %mul3A_78 : i32
      %add3A_80 = arith.constant 7 : i32
      %add3A_81 = arith.addi %mul3A_79, %add3A_80 : i32
      %broadcast_in_dim3A_82 = vector.broadcast %add3A_81 : i32 to vector<16xi32>
      %gather3A_83 = tpu.vector_load_idx %arg4[%add3A_19, %broadcast_in_dim3A_82] : memref<32x200xi32, #tpu.memory_space<vmem>>[vector<16xi32>, vector<16xi32>], vector<16xi32>,
      tpu.vector_store_idx %arg5[%add3A_19, %gather3A_83], %broadcast_in_dim3A_16 {add = true} : memref<32x1024xf32, #tpu.memory_space<vmem>>[vector<16xi32>, vector<16xi32>], vector<16xf32>,
      %gather3A_84 = tpu.vector_load_idx %arg4[%add3A_22, %broadcast_in_dim3A_82] : memref<32x200xi32, #tpu.memory_space<vmem>>[vector<16xi32>, vector<16xi32>], vector<16xi32>,
      tpu.vector_store_idx %arg5[%add3A_22, %gather3A_84], %broadcast_in_dim3A_16 {add = true} : memref<32x1024xf32, #tpu.memory_space<vmem>>[vector<16xi32>, vector<16xi32>], vector<16xf32>,
    }
    %scan3A_28 = arith.constant 25 : i32
    "tpu.region"() ({
      %run_scoped3A = tpu.sem_alloc : memref<!tpu.dma_semaphore, #tpu.memory_space<semaphore_mem>>
      %dma_start3A_29 = arith.constant 0 : i32
      %dma_start3A_30 = tpu.memref_slice %arg3[%mul3A_2, %dma_start3A_29] : memref<1024x1024xf32, #tpu.memory_space<hbm>> -> memref<32x1024xf32, #tpu.memory_space<hbm>>
      %dma_start3A_31 = arith.constant 0 : i32
      %dma_start3A_32 = tpu.memref_slice %arg3[%mul3A_2, %dma_start3A_31] : memref<1024x1024xf32, #tpu.memory_space<hbm>> -> memref<32x1024xf32, #tpu.memory_space<hbm>>
      tpu.enqueue_dma source(%arg5 : memref<32x1024xf32, #tpu.memory_space<vmem>>) target(%dma_start3A_32 : memref<32x1024xf32, #tpu.memory_space<hbm>>) target_semaphore(%run_scoped3A : memref<!tpu.dma_semaphore, #tpu.memory_space<semaphore_mem>>)
      %dma_wait3A_33 = arith.constant 0 : i32
      %dma_wait3A_34 = tpu.memref_slice %arg3[%mul3A_2, %dma_wait3A_33] : memref<1024x1024xf32, #tpu.memory_space<hbm>> -> memref<32x1024xf32, #tpu.memory_space<hbm>>
      %dma_wait3A_35 = arith.constant 0 : i32
      %dma_wait3A_36 = tpu.memref_slice %arg3[%mul3A_2, %dma_wait3A_35] : memref<1024x1024xf32, #tpu.memory_space<hbm>> -> memref<32x1024xf32, #tpu.memory_space<hbm>>
      tpu.wait_dma2 semaphore(%run_scoped3A : memref<!tpu.dma_semaphore, #tpu.memory_space<semaphore_mem>>) src(%arg5 : memref<32x1024xf32, #tpu.memory_space<vmem>>) dst(%dma_wait3A_36 : memref<32x1024xf32, #tpu.memory_space<hbm>>)
      tpu.yield
    }) : () -> ()
    return
  }
}

module attributes {stable_mosaic.version = 14 : i64} {
  func.func @_tc_mlp_body(%arg0: i32, %arg1: memref<512x1024xf32, #tpu.memory_space<vmem>>, %arg2: memref<1000x128xf32, #tpu.memory_space<vmem>>, %arg3: memref<128x15xf32, #tpu.memory_space<vmem>>, %arg4: memref<1x15xf32, #tpu.memory_space<vmem>>, %arg5: memref<15x15xf32, #tpu.memory_space<vmem>>, %arg6: memref<1x15xf32, #tpu.memory_space<vmem>>, %arg7: memref<15x10xf32, #tpu.memory_space<vmem>>, %arg8: memref<1x10xf32, #tpu.memory_space<vmem>>, %arg9: memref<512x10xf32, #tpu.memory_space<vmem>>) attributes {dimension_semantics = [#tpu.dimension_semantics<arbitrary>], iteration_bounds = array<i64: 2>, scalar_prefetch = 0 : i64, scratch_operands = 0 : i64, tpu.core_type = #tpu.core_type<tc>, window_params = [{transform_indices = @transform_0, window_bounds = array<i64: 512, 1024>}, {pipeline_mode = #tpu.pipeline_mode<synchronous>, transform_indices = @transform_1, window_bounds = array<i64: 1000, 128>}, {pipeline_mode = #tpu.pipeline_mode<synchronous>, transform_indices = @transform_2, window_bounds = array<i64: 128, 15>}, {pipeline_mode = #tpu.pipeline_mode<synchronous>, transform_indices = @transform_3, window_bounds = array<i64: 1, 15>}, {pipeline_mode = #tpu.pipeline_mode<synchronous>, transform_indices = @transform_4, window_bounds = array<i64: 15, 15>}, {pipeline_mode = #tpu.pipeline_mode<synchronous>, transform_indices = @transform_5, window_bounds = array<i64: 1, 15>}, {pipeline_mode = #tpu.pipeline_mode<synchronous>, transform_indices = @transform_6, window_bounds = array<i64: 15, 10>}, {pipeline_mode = #tpu.pipeline_mode<synchronous>, transform_indices = @transform_7, window_bounds = array<i64: 1, 10>}, {transform_indices = @transform_8, window_bounds = array<i64: 512, 10>}]} {
    %get3A = arith.constant 0 : index
    %get3A_0 = arith.constant 0 : index
    %get3A_1 = vector.load %arg2[%get3A, %get3A_0] : memref<1000x128xf32, #tpu.memory_space<vmem>>, vector<1000x128xf32>
    %broadcast_in_dim3A = arith.constant 0.000000e+00 : f32
    %broadcast_in_dim3A_2 = vector.broadcast %broadcast_in_dim3A : f32 to vector<24x128xf32>
    %concatenate3A = tpu.concatenate %get3A_1, %broadcast_in_dim3A_2 in 0 : vector<1000x128xf32>, vector<24x128xf32> -> vector<1024x128xf32>
    %convert_element_type3A = arith.truncf %concatenate3A : vector<1024x128xf32> to vector<1024x128xbf16>
    %convert_element_type3A_3 = arith.extf %convert_element_type3A : vector<1024x128xbf16> to vector<1024x128xf32>
    %sub3A = arith.subf %concatenate3A, %convert_element_type3A_3 : vector<1024x128xf32>
    %convert_element_type3A_4 = arith.truncf %sub3A : vector<1024x128xf32> to vector<1024x128xbf16>
    %get3A_5 = arith.constant 0 : index
    %get3A_6 = arith.constant 0 : index
    %get3A_7 = vector.load %arg1[%get3A_5, %get3A_6] : memref<512x1024xf32, #tpu.memory_space<vmem>>, vector<512x1024xf32>
    %convert_element_type3A_8 = arith.truncf %get3A_7 : vector<512x1024xf32> to vector<512x1024xbf16>
    %dot_general3A = arith.constant dense<0.000000e+00> : vector<512x128xf32>
    %dot_general3A_9 = tpu.matmul %convert_element_type3A_8, %convert_element_type3A, %dot_general3A {dimension_numbers = #tpu.dot_dimension_numbers<[1], [0], [0], [1], [0, 0, 1, 1], [], []>, transpose_lhs_hint = false} : vector<512x1024xbf16>, vector<1024x128xbf16>, vector<512x128xf32> -> vector<512x128xf32>
    %dot_general3A_10 = arith.constant dense<0.000000e+00> : vector<512x128xf32>
    %dot_general3A_11 = tpu.matmul %convert_element_type3A_8, %convert_element_type3A_4, %dot_general3A_10 {dimension_numbers = #tpu.dot_dimension_numbers<[1], [0], [0], [1], [0, 0, 1, 1], [], []>, transpose_lhs_hint = false} : vector<512x1024xbf16>, vector<1024x128xbf16>, vector<512x128xf32> -> vector<512x128xf32>
    %add3A = arith.addf %dot_general3A_9, %dot_general3A_11 : vector<512x128xf32>
    %mul3A = arith.constant 5.000000e-03 : f32
    %mul3A_12 = vector.broadcast %mul3A : f32 to vector<512x128xf32>
    %mul3A_13 = arith.mulf %add3A, %mul3A_12 : vector<512x128xf32>
    %get3A_14 = arith.constant 0 : index
    %get3A_15 = arith.constant 0 : index
    %get3A_16 = vector.load %arg3[%get3A_14, %get3A_15] : memref<128x15xf32, #tpu.memory_space<vmem>>, vector<128x15xf32>
    %dot_general3A_17 = arith.constant dense<0.000000e+00> : vector<512x15xf32>
    %dot_general3A_18 = tpu.matmul %mul3A_13, %get3A_16, %dot_general3A_17 {dimension_numbers = #tpu.dot_dimension_numbers<[1], [0], [0], [1], [0, 0, 1, 1], [], []>, precision = #tpu.contract_precision<fp32>, transpose_lhs_hint = false} : vector<512x128xf32>, vector<128x15xf32>, vector<512x15xf32> -> vector<512x15xf32>
    %get3A_19 = arith.constant 0 : index
    %get3A_20 = arith.constant 0 : index
    %get3A_21 = vector.load %arg4[%get3A_19, %get3A_20] : memref<1x15xf32, #tpu.memory_space<vmem>>, vector<1x15xf32>
    %add3A_22 = vector.broadcast %get3A_21 : vector<1x15xf32> to vector<512x15xf32>
    %add3A_23 = arith.addf %dot_general3A_18, %add3A_22 : vector<512x15xf32>
    %logistic3A = arith.negf %add3A_23 : vector<512x15xf32>
    %logistic3A_24 = math.exp %logistic3A : vector<512x15xf32>
    %logistic3A_25 = arith.constant 1.000000e+00 : f32
    %logistic3A_26 = vector.broadcast %logistic3A_25 : f32 to vector<512x15xf32>
    %logistic3A_27 = arith.addf %logistic3A_26, %logistic3A_24 : vector<512x15xf32>
    %logistic3A_28 = arith.divf %logistic3A_26, %logistic3A_27 : vector<512x15xf32>
    %get3A_29 = arith.constant 0 : index
    %get3A_30 = arith.constant 0 : index
    %get3A_31 = vector.load %arg5[%get3A_29, %get3A_30] : memref<15x15xf32, #tpu.memory_space<vmem>>, vector<15x15xf32>
    %dot_general3A_32 = arith.constant dense<0.000000e+00> : vector<512x15xf32>
    %dot_general3A_33 = tpu.matmul %logistic3A_28, %get3A_31, %dot_general3A_32 {dimension_numbers = #tpu.dot_dimension_numbers<[1], [0], [0], [1], [0, 0, 1, 1], [], []>, precision = #tpu.contract_precision<fp32>, transpose_lhs_hint = false} : vector<512x15xf32>, vector<15x15xf32>, vector<512x15xf32> -> vector<512x15xf32>
    %get3A_34 = arith.constant 0 : index
    %get3A_35 = arith.constant 0 : index
    %get3A_36 = vector.load %arg6[%get3A_34, %get3A_35] : memref<1x15xf32, #tpu.memory_space<vmem>>, vector<1x15xf32>
    %add3A_37 = vector.broadcast %get3A_36 : vector<1x15xf32> to vector<512x15xf32>
    %add3A_38 = arith.addf %dot_general3A_33, %add3A_37 : vector<512x15xf32>
    %logistic3A_39 = arith.negf %add3A_38 : vector<512x15xf32>
    %logistic3A_40 = math.exp %logistic3A_39 : vector<512x15xf32>
    %logistic3A_41 = arith.constant 1.000000e+00 : f32
    %logistic3A_42 = vector.broadcast %logistic3A_41 : f32 to vector<512x15xf32>
    %logistic3A_43 = arith.addf %logistic3A_42, %logistic3A_40 : vector<512x15xf32>
    %logistic3A_44 = arith.divf %logistic3A_42, %logistic3A_43 : vector<512x15xf32>
    %get3A_45 = arith.constant 0 : index
    %get3A_46 = arith.constant 0 : index
    %get3A_47 = vector.load %arg7[%get3A_45, %get3A_46] : memref<15x10xf32, #tpu.memory_space<vmem>>, vector<15x10xf32>
    %dot_general3A_48 = arith.constant dense<0.000000e+00> : vector<512x10xf32>
    %dot_general3A_49 = tpu.matmul %logistic3A_44, %get3A_47, %dot_general3A_48 {dimension_numbers = #tpu.dot_dimension_numbers<[1], [0], [0], [1], [0, 0, 1, 1], [], []>, precision = #tpu.contract_precision<fp32>, transpose_lhs_hint = false} : vector<512x15xf32>, vector<15x10xf32>, vector<512x10xf32> -> vector<512x10xf32>
    %get3A_50 = arith.constant 0 : index
    %get3A_51 = arith.constant 0 : index
    %get3A_52 = vector.load %arg8[%get3A_50, %get3A_51] : memref<1x10xf32, #tpu.memory_space<vmem>>, vector<1x10xf32>
    %add3A_53 = vector.broadcast %get3A_52 : vector<1x10xf32> to vector<512x10xf32>
    %add3A_54 = arith.addf %dot_general3A_49, %add3A_53 : vector<512x10xf32>
    %reduce_max3A = arith.constant dense<0xFF800000> : vector<512xf32>
    %reduce_max3A_55 = vector.multi_reduction <maximumf>, %add3A_54, %reduce_max3A [1] : vector<512x10xf32> to vector<512xf32>
    %broadcast_in_dim3A_56 = vector.shape_cast %reduce_max3A_55 : vector<512xf32> to vector<512x1xf32>
    %sub3A_57 = vector.broadcast %broadcast_in_dim3A_56 : vector<512x1xf32> to vector<512x10xf32>
    %sub3A_58 = arith.subf %add3A_54, %sub3A_57 : vector<512x10xf32>
    %exp3A = math.exp %sub3A_58 : vector<512x10xf32>
    %reduce_sum3A = arith.constant dense<0.000000e+00> : vector<512xf32>
    %reduce_sum3A_59 = vector.multi_reduction <add>, %exp3A, %reduce_sum3A [1] : vector<512x10xf32> to vector<512xf32>
    %broadcast_in_dim3A_60 = vector.shape_cast %reduce_sum3A_59 : vector<512xf32> to vector<512x1xf32>
    %div3A = vector.broadcast %broadcast_in_dim3A_60 : vector<512x1xf32> to vector<512x10xf32>
    %div3A_61 = arith.divf %exp3A, %div3A : vector<512x10xf32>
    %swap3A = arith.constant 0 : index
    %swap3A_62 = arith.constant 0 : index
    %swap3A_63 = vector.load %arg9[%swap3A, %swap3A_62] : memref<512x10xf32, #tpu.memory_space<vmem>>, vector<512x10xf32>
    tpu.vector_store %arg9[%swap3A, %swap3A_62], %div3A_61 {strides = array<i32>} : memref<512x10xf32, #tpu.memory_space<vmem>>, vector<512x10xf32>,
    return
  }
  func.func @transform_0(%arg0: i32) -> (i32, i32) {
    %c0_i32 = arith.constant 0 : i32
    %c0_i32_0 = arith.constant 0 : i32
    return %arg0, %c0_i32 : i32, i32
  }
  func.func @transform_1(%arg0: i32) -> (i32, i32) {
    %c0_i32 = arith.constant 0 : i32
    %c0_i32_0 = arith.constant 0 : i32
    %c0_i32_1 = arith.constant 0 : i32
    return %c0_i32, %c0_i32_0 : i32, i32
  }
  func.func @transform_2(%arg0: i32) -> (i32, i32) {
    %c0_i32 = arith.constant 0 : i32
    %c0_i32_0 = arith.constant 0 : i32
    %c0_i32_1 = arith.constant 0 : i32
    return %c0_i32, %c0_i32_0 : i32, i32
  }
  func.func @transform_3(%arg0: i32) -> (i32, i32) {
    %c0_i32 = arith.constant 0 : i32
    %c0_i32_0 = arith.constant 0 : i32
    %c0_i32_1 = arith.constant 0 : i32
    return %c0_i32, %c0_i32_0 : i32, i32
  }
  func.func @transform_4(%arg0: i32) -> (i32, i32) {
    %c0_i32 = arith.constant 0 : i32
    %c0_i32_0 = arith.constant 0 : i32
    %c0_i32_1 = arith.constant 0 : i32
    return %c0_i32, %c0_i32_0 : i32, i32
  }
  func.func @transform_5(%arg0: i32) -> (i32, i32) {
    %c0_i32 = arith.constant 0 : i32
    %c0_i32_0 = arith.constant 0 : i32
    %c0_i32_1 = arith.constant 0 : i32
    return %c0_i32, %c0_i32_0 : i32, i32
  }
  func.func @transform_6(%arg0: i32) -> (i32, i32) {
    %c0_i32 = arith.constant 0 : i32
    %c0_i32_0 = arith.constant 0 : i32
    %c0_i32_1 = arith.constant 0 : i32
    return %c0_i32, %c0_i32_0 : i32, i32
  }
  func.func @transform_7(%arg0: i32) -> (i32, i32) {
    %c0_i32 = arith.constant 0 : i32
    %c0_i32_0 = arith.constant 0 : i32
    %c0_i32_1 = arith.constant 0 : i32
    return %c0_i32, %c0_i32_0 : i32, i32
  }
  func.func @transform_8(%arg0: i32) -> (i32, i32) {
    %c0_i32 = arith.constant 0 : i32
    %c0_i32_0 = arith.constant 0 : i32
    return %arg0, %c0_i32 : i32, i32
  }
}

</mosaic_0001>

<sc_bundles>
// kernel: kernel.4.cloned.1.call-start
scs
__scs_entry_jumppad:
0x0: {  	(pc) =	sbr.rel $0x88, $3  }
0x1: {  	(tag) =	ssettag $0x0;
	lr =	simm.s32 $0x1  }
0x2: {  	[smem:$0x3F99] =	sst lr;
	_ =	strace $0xD0000000  }
0x3: {  	_ = 	snop  }
0x4: {  	_ = 	snop  }
0x5: {  	_ = 	snop  }
0x6: {  	_ = 	snop  }
0x7: {  	_ = 	snop  }
__scs_overlays_trampoline_lowered:
0x8: {  	[smem:$0x3FA8] =	sst s0  }
0x9: {  	[smem:$0x3FA9] =	sst s1  }
0xa: {  	[smem:$0x3FAA] =	sst s2  }
0xb: {  	[smem:$0x3FAB] =	sst s3  }
0xc: {  	[smem:$0x3FAC] =	sst s4  }
0xd: {  	[smem:$0x3FAD] =	sst s5  }
0xe: {  	[smem:$0x3FAE] =	sst s6  }
0xf: {  	[smem:$0x3FAF] =	sst s7  }
0x10: {  	[smem:$0x3FB0] =	sst s8  }
0x11: {  	[smem:$0x3FB1] =	sst s9;
	s0 =	simm.s32 @!p0 $0x0  }
0x12: {  	s1 =	sld [smem:$0x3F97];
	s0 =	simm.s32 @p0 $0x1  }
0x13: {  	[smem:$0x3FB2] =	sst s0;
	s0 =	simm.s32 @!p1 $0x0  }
0x14: {  	s2 =	sld [smem:$0x3F96];
	s0 =	simm.s32 @p1 $0x1  }
0x15: {  	[smem:$0x3FB3] =	sst s0;
	s0 =	simm.s32 @!p2 $0x0  }
0x16: {  	s3 =	sld [smem:$0x3FDB];
	s0 =	simm.s32 @p2 $0x1  }
0x17: {  	s4 =	simm.s32 $0x1BF5;
	[smem:$0x3FB5] =	sst s0  }
0x18: {  	s0 =	sld [smem:$0x3F98];
	_ =	swait.ge [sflag:s4], $0x0  }
0x19: {  	s7 =	sld [smem:$0x3F99]  }
0x1a: {  	s8 =	sadd.s32 $0xFFFFE003, lr  }
0x1b: {  	s9 =	sadd.s32 $0xFFFFFEF7, lr;
	s5 =	simm.s32 $0xFFFFFFFF;
	p2 =	slt.u32 s8, $0xFFFFF086  }
0x1c: {  	p1 =	slt.u32 s9, $0xF7A;
	s5 =	simm.s32 @!p2 $0x0  }
0x1d: {  	s5 =	simm.s32 @p1 $0x1;
	p0 =	seq.s32 s7, s2  }
0x1e: {  	s7 =	smul.u32 @!p0 $0xF7A, s2;
	p2 =	seq.s32 @!p0 s5, $0x0  }
0x1f: {  	s9 =	smul.u32 $0xF7A, s1;
	s8 =	simm.s32 @!p0 $0x1BF5;
	p2 =	por !p2, p0  }
0x20: {  	[sflag:s8] =	ssyncset.s32 @!p0 $0xFFFFF086;
	s6 =	sadd.s32 @!p0 s3, s7;
	s7 =	simm.s32 @!p0 $0x108  }
0x21: {  	s3 =	sadd.s32 s3, s9;
	s6 =	sadd.s32 @!p0 $0x88, s6;
	s7 =	simm.s32 @p2 $0x1082  }
0x22: {  	[simem:s7], [sflag:s8] =	dma.local @!p0 [hbm:s6], $0xF7A  }
0x23: {  	s9 =	sor.u32 $0xD0000000, s2;
	s6 =	simm.s32 $0x108;
	_ =	swait.ge @!p0 [sflag:s8], $0x0  }
0x24: {  	s3 =	sadd.s32 $0x88, s3;
	s6 =	simm.s32 @!p1 $0x1082;
	[sflag:s4] =	ssyncset.s32 $0xFFFFF086  }
0x25: {  	[simem:s6], [sflag:s4] =	dma.local [hbm:s3], $0xF7A  }
0x26: {  	[smem:$0x3F99] =	sst s1;
	(tag) =	ssettag s2;
	_ =	strace s9  }
0x27: {  	s1 =	sld [smem:$0x3FA9]  }
0x28: {  	s2 =	sld [smem:$0x3FAA]  }
0x29: {  	s4 =	sld [smem:$0x3FAC]  }
0x2a: {  	p0 =	seq.s32 s5, $0x0;
	s5 =	sld [smem:$0x3FAD]  }
0x2b: {  	s6 =	sld [smem:$0x3FAE]  }
0x2c: {  	s7 =	sld [smem:$0x3FAF]  }
0x2d: {  	s3 =	simm.s32 $0x108;
	s8 =	sld [smem:$0x3FB0]  }
0x2e: {  	s3 =	simm.s32 @!p0 $0x1082;
	s9 =	sld [smem:$0x3FB1]  }
0x2f: {  	lr =	sadd.s32 s0, s3;
	s0 =	sld [smem:$0x3FA8]  }
0x30: {  	s3 =	sld [smem:$0x3FAB]  }
0x31: {  	[smem:$0x3FB4] =	sst s10  }
0x32: {  	s10 =	sld [smem:$0x3FB2];
	_ =	sdelay $0x3  }
0x33: {  	p0 =	seq.s32 s10, $0x1;
	s10 =	sld [smem:$0x3FB4];
	_ =	sdelay $0x3  }
0x34: {  	[smem:$0x3FB4] =	sst s10  }
0x35: {  	s10 =	sld [smem:$0x3FB3];
	_ =	sdelay $0x3  }
0x36: {  	p1 =	seq.s32 s10, $0x1;
	s10 =	sld [smem:$0x3FB4];
	_ =	sdelay $0x3  }
0x37: {  	[smem:$0x3FB4] =	sst s10  }
0x38: {  	s10 =	sld [smem:$0x3FB5]  }
0x39: {  	_ = 	snop;
	(pc) =	sbr.ind lr, $3  }
0x3a: {  	_ = 	snop  }
0x3b: {  	_ = 	snop  }
0x3c: {  	p2 =	seq.s32 s10, $0x1;
	s10 =	sld [smem:$0x3FB4]  }
0x3d: {  	_ =	shalt  }
0x3e: {  	_ =	shalt  }
0x3f: {  	_ =	shalt  }
0x40: {  	_ =	shalt  }
0x41: {  	_ =	shalt  }
0x42: {  	_ =	shalt  }
0x43: {  	_ =	shalt  }
0x44: {  	_ =	shalt  }
0x45: {  	_ =	shalt  }
0x46: {  	_ =	shalt  }
0x47: {  	_ =	shalt  }
0x48: {  	_ =	shalt  }
0x49: {  	_ =	shalt  }
0x4a: {  	_ =	shalt  }
0x4b: {  	_ =	shalt  }
0x4c: {  	_ =	shalt  }
0x4d: {  	_ =	shalt  }
0x4e: {  	_ =	shalt  }
0x4f: {  	_ =	shalt  }
0x50: {  	_ =	shalt  }
0x51: {  	_ =	shalt  }
0x52: {  	_ =	shalt  }
0x53: {  	_ =	shalt  }
0x54: {  	_ =	shalt  }
0x55: {  	_ =	shalt  }
0x56: {  	_ =	shalt  }
0x57: {  	_ =	shalt  }
0x58: {  	_ =	shalt  }
0x59: {  	_ =	shalt  }
0x5a: {  	_ =	shalt  }
0x5b: {  	_ =	shalt  }
0x5c: {  	_ =	shalt  }
0x5d: {  	_ =	shalt  }
0x5e: {  	_ =	shalt  }
0x5f: {  	_ =	shalt  }
0x60: {  	_ =	shalt  }
0x61: {  	_ =	shalt  }
0x62: {  	_ =	shalt  }
0x63: {  	_ =	shalt  }
0x64: {  	_ =	shalt  }
0x65: {  	_ =	shalt  }
0x66: {  	_ =	shalt  }
0x67: {  	_ =	shalt  }
0x68: {  	_ =	shalt  }
0x69: {  	_ =	shalt  }
0x6a: {  	_ =	shalt  }
0x6b: {  	_ =	shalt  }
0x6c: {  	_ =	shalt  }
0x6d: {  	_ =	shalt  }
0x6e: {  	_ =	shalt  }
0x6f: {  	_ =	shalt  }
0x70: {  	_ =	shalt  }
0x71: {  	_ =	shalt  }
0x72: {  	_ =	shalt  }
0x73: {  	_ =	shalt  }
0x74: {  	_ =	shalt  }
0x75: {  	_ =	shalt  }
0x76: {  	_ =	shalt  }
0x77: {  	_ =	shalt  }
0x78: {  	_ =	shalt  }
0x79: {  	_ =	shalt  }
0x7a: {  	_ =	shalt  }
0x7b: {  	_ =	shalt  }
0x7c: {  	_ =	shalt  }
0x7d: {  	_ =	shalt  }
0x7e: {  	_ =	shalt  }
0x7f: {  	_ =	shalt  }
0x80: {  	_ =	shalt  }
0x81: {  	_ =	shalt  }
0x82: {  	_ =	shalt  }
0x83: {  	_ =	shalt  }
0x84: {  	_ =	shalt  }
0x85: {  	_ =	shalt  }
0x86: {  	_ =	shalt  }
0x87: {  	_ =	shalt  }
.Lfunc_end0:
.L_simem_size_0:
called_computation_lowered:
.L_overlay_start_0:
0x88: {  	s2 =	sld [smem:$0x3FD9]  }
0x89: {  	s3 =	sld [smem:$0x3FFE];
	_ =	sdelay $0x1  }
0x8a: {  	s1 =	srdreg.scid  }
0x8b: {  	s0 =	sand.u32 $0x1, s1  }
0x8c: {  	s16 =	sshll.u32 s0, $0xA;
	s2 =	sadd.s32 s3, s2  }
0x8d: {  	s2 =	sadd.s32 s2, s16  }
0x8e: {  	[smem:$0x3FC0] =	sst s2  }
0x8f: {  	_ = 	snop  }
0x90: {  	(tm) =	ssettm $0x1  }
0x91: {  	s17 =	sld [smem:$0x3FFB];
	_ =	sdelay $0x3  }
0x92: {  	_ =	strace s17  }
0x93: {  	s2 =	sld [smem:$0x3FFC];
	_ =	sdelay $0x3  }
0x94: {  	_ =	strace s2  }
0x95: {  	s2 =	sld [smem:$0x3FFD];
	_ =	sdelay $0x3  }
0x96: {  	_ =	strace s2  }
0x97: {  	_ =	strace $0x8FFFFFFF  }
0x98: {  	s18 =	sld [smem:$0x3FDB];
	_ =	sdelay $0x1  }
0x99: {  	s19 =	simm.s32 $_scs_section_size  }
0x9a: {  	s4 =	simm.s32 $_size__tile_overlayer_lowered;
	s5 =	simm.s32 $_tile_overlayer_lowered  }
0x9b: {  	s22 =	simm.s32 $0x1BFF;
	s21 =	sshll.u32 s5, $0x1;
	s2 =	sadd.s32 s19, s18  }
0x9c: {  	s6 =	simm.s32 $0x0;
	s20 =	sshll.u32 s4, $0x1;
	s4 =	sadd.s32 s21, s2  }
0x9d: {  	[timem:s6], [sflag:s22] =	dma.local [hbm:s4], s20  }
0x9e: {  	_ =	swait.ge [sflag:s22], s20  }
0x9f: {  	s3 =	ssub.s32 $0x0, s20;
	[sflag:s22] =	ssyncset.done $0x0  }
0xa0: {  	[sflag:s22] =	ssyncadd.s32 s3;
	_ =	sdelay $0x1  }
0xa1: {  	s23 =	simm.s32 $0x1B8B  }
0xa2: {  	_ =	swait.ge [sflag:s23], $0x1  }
0xa3: {  	[sflag:s23] =	ssyncset.done $0x0  }
0xa4: {  	s25 =	simm.s32 $0x1B8E;
	s24 =	sld [smem:$0x3FFE];
	[sflag:s23] =	ssyncadd.s32 $0xFFFFFFFF  }
0xa5: {  	s26 =	simm.s32 $execute0_lowered;
	[smem:$0x3FD2] =	sst s25  }
0xa6: {  	s4 =	sshll.u32 s26, $0x1;
	_ =	strace $0x80000046;
	[dreg:$0x1] =	wrdreg $0xFFFFFFFF  }
0xa7: {  	s28 =	simm.s32 $_size_execute0_lowered;
	s2 =	sadd.s32 s2, s4;
	[dreg:$0x0] =	wrdreg $0x0  }
0xa8: {  	s4 =	sshll.u32 s28, $0x1;
	[dreg:$0x2] =	wrdreg s2  }
0xa9: {  	[dreg:$0x3] =	wrdreg s4  }
0xaa: {  	[dreg:$0x4] =	wrdreg $0xC0  }
0xab: {  	_ =	task [dreg:s6], $0x5FFFF  }
0xac: {  	[dreg:$0x1] =	wrdreg $0xFFFFFFFF  }
0xad: {  	[dreg:$0x0] =	wrdreg $0x60  }
0xae: {  	[dreg:$0x2] =	wrdreg s24  }
0xaf: {  	[dreg:$0x3] =	wrdreg $0x9  }
0xb0: {  	_ =	task.clear_ibuf [dreg:s6], $0x4FFFF;
	_ =	strace $0x90000046  }
0xb1: {  	s29 =	simm.s32 $0x9;
	_ =	strace $0x80000048  }
0xb2: {  	_ =	swait.ge [sflag:s29], $0x1  }
0xb3: {  	[sflag:s29] =	ssyncadd.s32 $0xFFFFFFFF  }
0xb4: {  	_ =	strace $0x90000048  }
0xb5: {  	_ =	sfence  }
0xb6: {  	s30 =	sld [smem:$0x0];
	_ =	sdelay $0x2  }
0xb7: {  	s31 =	sshll.u32 s1, $0xD;
	s1 =	sshrl.u32 s1, $0x2  }
0xb8: {  	s3 =	sand.u32 $0x4000, s31;
	s1 =	sadd.s32 s1, s30  }
0xb9: {  	s0 =	sor.u32 s3, s0;
	s1 =	sshll.u32 s1, $0x11  }
0xba: {  	s0 =	sor.u32 s1, s0  }
0xbb: {  	s0 =	sadd.s32 $0x8F2B, s0  }
0xbc: {  	[sflag:s0] =	ssyncadd.remote.s32 $0x1  }
0xbd: {  	_ =	sfence.sel $0xFFFF  }
0xbe: {  	[dreg:$0x0] =	wrdreg $0xFFFFFFFF;
	(pc) =	sbr.abs _section_cstart, $3  }
0xbf: {  	[dreg:$0x1] =	wrdreg $0xFFFFFFFF  }
0xc0: {  	_ =	task.clear_ibuf [dreg:s6], $0x2FFFF;
	_ =	strace $0x9FFFFFFF  }
0xc1: {  	(tm) =	ssettm $0x7FFFFFFF  }
tec
execute0_lowered:
.L_overlay_start_1:
0x0: {  	(tag) =	ssettag $0x1  }
0x1: {  	v0 =	vimm.s32 $0xB80;
	vm14 =	vcmask $0x300;
	vm13 =	vcmask $0x704  }
0x2: {  	vm12 =	vcmask $0xB08;
	vm11 =	vcmask $0xF0C;
	vm10 =	vcmask $0x1310  }
0x3: {  	vm9 =	vcmask $0x1714;
	vm8 =	vcmask $0x1B18;
	vm7 =	vcmask $0x1F1C  }
0x4: {  	vm6 =	vcmask $0x2320;
	vm5 =	vcmask $0x2724;
	vm4 =	vcmask $0x2B28  }
0x5: {  	vm3 =	vcmask $0x2F2C;
	vm2 =	vcmask $0x3330;
	vm1 =	vcmask $0x3734  }
0x6: {  	vm0 =	vcmask $0x3B38;
	v2 =	vimm.s32 $0x2380;
	v3 =	vimm.s32 $0x1B80  }
0x7: {  	v4 =	vimm.s32 $0x6380;
	v0 =	vsel vm14, $0x0, v0;
	v2 =	vsel vm14, $0x0, v2  }
0x8: {  	v3 =	vsel vm14, $0x1000, v3;
	v4 =	vsel vm14, $0x4000, v4;
	v0 =	vsel vm13, $0x80, v0  }
0x9: {  	v2 =	vsel vm13, $0x80, v2;
	v3 =	vsel vm13, $0x1080, v3;
	v4 =	vsel vm13, $0x4080, v4  }
0xa: {  	v0 =	vsel vm12, $0x100, v0;
	v2 =	vsel vm12, $0x100, v2;
	v3 =	vsel vm12, $0x1100, v3  }
0xb: {  	v4 =	vsel vm12, $0x4100, v4;
	v0 =	vsel vm11, $0x180, v0;
	v2 =	vsel vm11, $0x180, v2  }
0xc: {  	v3 =	vsel vm11, $0x1180, v3;
	v4 =	vsel vm11, $0x4180, v4;
	v0 =	vsel vm10, $0x200, v0  }
0xd: {  	v2 =	vsel vm10, $0x200, v2;
	v3 =	vsel vm10, $0x1200, v3;
	v4 =	vsel vm10, $0x4200, v4  }
0xe: {  	v0 =	vsel vm9, $0x280, v0;
	v2 =	vsel vm9, $0x280, v2;
	v3 =	vsel vm9, $0x1280, v3  }
0xf: {  	v4 =	vsel vm9, $0x4280, v4;
	v0 =	vsel vm8, $0x300, v0;
	v2 =	vsel vm8, $0x300, v2  }
0x10: {  	v3 =	vsel vm8, $0x1300, v3;
	v4 =	vsel vm8, $0x4300, v4;
	v0 =	vsel vm7, $0x380, v0  }
0x11: {  	v2 =	vsel vm7, $0x380, v2;
	v3 =	vsel vm7, $0x1380, v3;
	v4 =	vsel vm7, $0x4380, v4  }
0x12: {  	v0 =	vsel vm6, $0x800, v0;
	v2 =	vsel vm6, $0x2000, v2;
	v3 =	vsel vm6, $0x1800, v3  }
0x13: {  	s3 =	rddreg [dreg:$0x0];
	s2 =	srdreg.scid;
	v4 =	vsel vm6, $0x6000, v4;
	v0 =	vsel vm5, $0x880, v0;
	v2 =	vsel vm5, $0x2080, v2  }
0x14: {  	s0 =	rddreg [dreg:$0x1];
	s1 =	stileid.u32;
	v3 =	vsel vm5, $0x1880, v3;
	v4 =	vsel vm5, $0x6080, v4;
	v0 =	vsel vm4, $0x900, v0  }
0x15: {  	s8 =	simm.s32 $0x2;
	s9 =	simm.s32 $0x0;
	s4 =	sand.u32 $0x1, s2;
	v2 =	vsel vm4, $0x2100, v2;
	v3 =	vsel vm4, $0x1900, v3;
	v4 =	vsel vm4, $0x6100, v4  }
0x16: {  	s2 =	simm.s32 $0x0;
	s5 =	sshll.u32 s1, $0x6;
	s6 =	sshll.u32 s4, $0x5;
	v0 =	vsel vm3, $0x980, v0;
	v2 =	vsel vm3, $0x2180, v2;
	v3 =	vsel vm3, $0x1980, v3  }
0x17: {  	[smem:$0x7FF] =	sst s2;
	s4 =	ssub.s32 $0x2, s4;
	s5 =	sor.u32 s6, s5;
	v4 =	vsel vm3, $0x6180, v4;
	v0 =	vsel vm2, $0xA00, v0;
	v2 =	vsel vm2, $0x2200, v2  }
0x18: {  	_ =	strace $0x80000047;
	s6 =	sshll.u32 s5, $0x5;
	s5 =	sshll.u32 s5, $0x7;
	v3 =	vsel vm2, $0x1A00, v3;
	v4 =	vsel vm2, $0x6200, v4;
	v1 =	vsel vm1, $0xA80, v0  }
0x19: {  	s7 =	sshrl.u32 s4, $0x1;
	s6 =	sadd.s32 s6, s3;
	s5 =	sadd.s32 s5, s3;
	v0 =	vimm.f32 $0.0e+00;
	v2 =	vsel vm1, $0x2280, v2;
	v5 =	vsel vm1, $0x1A80, v3  }
0x1a: {  	s7 =	ssub.s32 s4, s7;
	s3 =	sadd.s32 $0x1400, s6;
	s4 =	sadd.s32 $0x9400, s5;
	v6 =	vsel vm1, $0x6280, v4;
	v3 =	vimm.f32 $1.000000000e+00;
	v1 =	vsel vm0, $0xB00, v1  }
0x1b: {  	s5 =	smax.u32 s7, $0x1;
	s6 =	simm.s32 $0x1;
	s7 =	simm.s32 $0x2000;
	v2 =	vsel vm0, $0x2300, v2;
	v4 =	vsel vm0, $0x1B00, v5;
	v5 =	vsel vm0, $0x6300, v6  }
.LBB2_1:
0x1c: {  	[tilespmem:s2], [sflag:$0x1] =	stream.linear.gather [hbm4b:s3+s2], $0x2000, $0x38;
	[tilespmem:$0xA000] =	vst v63  }
0x1d: {  	s10 =	simm.s32 $0x0  }
0x1e: {  	s11 =	simm.s32 $0x0;
	s12 =	sand.u32 $0x1800, s2;
	s10 =	sand.u32 $0x6000, s10  }
0x1f: {  	s11 =	sand.u32 $0x380, s11;
	s10 =	sor.u32 s12, s10  }
0x20: {  	s10 =	sor.u32 s11, s10  }
0x21: {  	[tilespmem:s10+$0x2470] =	vst v0  }
0x22: {  	[tilespmem:s10+$0x2000] =	vst v0  }
0x23: {  	[tilespmem:s10+$0x2010] =	vst v0  }
0x24: {  	[tilespmem:s10+$0x2020] =	vst v0  }
0x25: {  	[tilespmem:s10+$0x2030] =	vst v0  }
0x26: {  	[tilespmem:s10+$0x2040] =	vst v0  }
0x27: {  	[tilespmem:s10+$0x2050] =	vst v0  }
0x28: {  	[tilespmem:s10+$0x2060] =	vst v0  }
0x29: {  	[tilespmem:s10+$0x2070] =	vst v0  }
0x2a: {  	[tilespmem:s10+$0x2400] =	vst v0  }
0x2b: {  	[tilespmem:s10+$0x2410] =	vst v0  }
0x2c: {  	s14 =	simm.s32 $0x100;
	[tilespmem:s10+$0x2420] =	vst v0  }
0x2d: {  	s13 =	simm.s32 $0x20;
	s12 =	simm.s32 $0x2;
	s11 =	simm.s32 $0x800;
	[tilespmem:s10+$0x2430] =	vst v0  }
.LBB2_2:
0x2e: {  	p0 =	sne.s32 s12, $0x7F;
	s14 =	sand.u32 $0x6000, s14;
	s15 =	sand.u32 $0x1800, s11;
	[tilespmem:s10+$0x2440] =	vst v0  }
0x2f: {  	s13 =	sand.u32 $0x380, s13;
	s14 =	sor.u32 s15, s14;
	[tilespmem:s10+$0x2450] =	vst v0  }
0x30: {  	[tilespmem:s10+$0x2460] =	vst v0;
	s10 =	sor.u32 s13, s14  }
0x31: {  	[tilespmem:s10+$0x2470] =	vst v0  }
0x32: {  	[tilespmem:s10+$0x2000] =	vst v0  }
0x33: {  	[tilespmem:s10+$0x2010] =	vst v0  }
0x34: {  	[tilespmem:s10+$0x2020] =	vst v0  }
0x35: {  	[tilespmem:s10+$0x2030] =	vst v0  }
0x36: {  	[tilespmem:s10+$0x2040] =	vst v0  }
0x37: {  	[tilespmem:s10+$0x2050] =	vst v0  }
0x38: {  	[tilespmem:s10+$0x2060] =	vst v0  }
.Ltmp0:
0x39: {  	[tilespmem:s10+$0x2070] =	vst v0;
	(pc) =	sbr.rel @p0 .LBB2_2-.Ltmp0, $4  }
0x3a: {  	[tilespmem:s10+$0x2400] =	vst v0  }
0x3b: {  	[tilespmem:s10+$0x2410] =	vst v0  }
0x3c: {  	s11 =	sadd.s32 $0x800, s11;
	[tilespmem:s10+$0x2420] =	vst v0  }
0x3d: {  	s14 =	sshll.u32 s12, $0x8;
	s13 =	sshll.u32 s12, $0x5;
	s12 =	sadd.s32 $0x1, s12;
	[tilespmem:s10+$0x2430] =	vst v0  }
0x3e: {  	s12 =	sand.u32 $0x6000, s14;
	s11 =	sand.u32 $0x1800, s11;
	[tilespmem:s10+$0x2440] =	vst v0  }
0x3f: {  	s13 =	sand.u32 $0x380, s13;
	[tilespmem:s10+$0x2450] =	vst v0;
	s11 =	sor.u32 s11, s12  }
0x40: {  	[tilespmem:s10+$0x2460] =	vst v0;
	s11 =	sor.u32 s13, s11  }
0x41: {  	[tilespmem:s11+$0x2470] =	vst v0  }
0x42: {  	[tilespmem:s11+$0x2000] =	vst v0  }
0x43: {  	[tilespmem:s11+$0x2010] =	vst v0  }
0x44: {  	[tilespmem:s11+$0x2020] =	vst v0  }
0x45: {  	[tilespmem:s11+$0x2030] =	vst v0  }
0x46: {  	[tilespmem:s11+$0x2040] =	vst v0  }
0x47: {  	[tilespmem:s11+$0x2050] =	vst v0  }
0x48: {  	[tilespmem:s11+$0x2060] =	vst v0  }
0x49: {  	[tilespmem:s11+$0x2070] =	vst v0  }
0x4a: {  	[tilespmem:s11+$0x2400] =	vst v0  }
0x4b: {  	[tilespmem:s11+$0x2410] =	vst v0  }
0x4c: {  	[tilespmem:s11+$0x2420] =	vst v0  }
0x4d: {  	[tilespmem:s11+$0x2430] =	vst v0  }
0x4e: {  	[tilespmem:s11+$0x2440] =	vst v0  }
0x4f: {  	[tilespmem:s11+$0x2450] =	vst v0  }
0x50: {  	[tilespmem:s11+$0x2460] =	vst v0  }
0x51: {  	_ =	swait.ge [sflag:s6], $0x2000  }
0x52: {  	[sflag:s6] =	ssyncset.done $0x0  }
0x53: {  	s10 =	simm.s32 $0x7;
	[sflag:s6] =	ssyncadd.s32 $0xFFFFE000  }
.LBB2_4:
0x54: {  	s11 =	sadd.s32 $0xFFFFFFF9, s10  }
0x55: {  	v6 =	vmov s11  }
0x56: {  	v7 =	vshll.u32 v6, $0x3  }
0x57: {  	v6 =	vand.u32 $0x78, v6;
	v7 =	vand.u32 $0x400, v7  }
0x58: {  	v6 =	vor.u32 v6, v7  }
0x59: {  	v7 =	vor.u32 v1, v6;
	_ =	sdelay $0x4  }
0x5a: {  	v7 =	vld.idx.msk [tilespmem:v7+s2+$0x0], $0xffff;
	_ =	sdelay $0x4  }
0x5b: {  	v8 =	vshll.u32 v7, $0x3  }
0x5c: {  	v7 =	vand.u32 $0x7F, v7;
	v8 =	vand.u32 $0xFFFFFC00, v8  }
0x5d: {  	v7 =	vor.u32 v7, v8  }
0x5e: {  	v7 =	vadd.s32 v2, v7  }
0x5f: {  	v6 =	vor.u32 v4, v6;
	_ =	sdelay $0x3  }
0x60: {  	[tilespmem:v7+s7+$0x0] =	vst.idx.add.f32.msk $0xffff, v3  }
0x61: {  	v6 =	vld.idx.msk [tilespmem:v6+s2+$0x0], $0xffff;
	_ =	sdelay $0x3  }
0x62: {  	s25 =	sadd.s32 $0xFFFFFFFA, s10  }
0x63: {  	v44 =	vmov s25;
	v7 =	vshll.u32 v6, $0x3  }
0x64: {  	v9 =	vshll.u32 v44, $0x3;
	v6 =	vand.u32 $0x7F, v6;
	v7 =	vand.u32 $0xFFFFFC00, v7  }
0x65: {  	v45 =	vand.u32 $0x400, v9;
	v6 =	vor.u32 v6, v7;
	v7 =	vand.u32 $0x79, v44  }
0x66: {  	v6 =	vadd.s32 v5, v6;
	v7 =	vor.u32 v7, v45  }
0x67: {  	v8 =	vor.u32 v1, v7;
	_ =	sdelay $0x3  }
0x68: {  	[tilespmem:v6+s7+$0x0] =	vst.idx.add.f32.msk $0xffff, v3  }
0x69: {  	v6 =	vld.idx.msk [tilespmem:v8+s2+$0x0], $0xffff;
	_ =	sdelay $0x4  }
0x6a: {  	v8 =	vshll.u32 v6, $0x3  }
0x6b: {  	v6 =	vand.u32 $0x7F, v6;
	v8 =	vand.u32 $0xFFFFFC00, v8  }
0x6c: {  	v6 =	vor.u32 v6, v8  }
0x6d: {  	v6 =	vadd.s32 v2, v6  }
0x6e: {  	v7 =	vor.u32 v4, v7;
	_ =	sdelay $0x3  }
0x6f: {  	[tilespmem:v6+s7+$0x0] =	vst.idx.add.f32.msk $0xffff, v3  }
0x70: {  	v6 =	vld.idx.msk [tilespmem:v7+s2+$0x0], $0xffff;
	_ =	sdelay $0x3  }
0x71: {  	s26 =	sadd.s32 $0xFFFFFFFB, s10  }
0x72: {  	v46 =	vmov s26;
	v7 =	vshll.u32 v6, $0x3  }
0x73: {  	v47 =	vshll.u32 v46, $0x3;
	v6 =	vand.u32 $0x7F, v6;
	v7 =	vand.u32 $0xFFFFFC00, v7  }
0x74: {  	v48 =	vand.u32 $0x400, v47;
	v6 =	vor.u32 v6, v7;
	v7 =	vand.u32 $0x7A, v46  }
0x75: {  	v6 =	vadd.s32 v5, v6;
	v7 =	vor.u32 v7, v48  }
0x76: {  	v8 =	vor.u32 v1, v7;
	_ =	sdelay $0x3  }
0x77: {  	[tilespmem:v6+s7+$0x0] =	vst.idx.add.f32.msk $0xffff, v3  }
0x78: {  	v6 =	vld.idx.msk [tilespmem:v8+s2+$0x0], $0xffff;
	_ =	sdelay $0x4  }
0x79: {  	v8 =	vshll.u32 v6, $0x3  }
0x7a: {  	v6 =	vand.u32 $0x7F, v6;
	v8 =	vand.u32 $0xFFFFFC00, v8  }
0x7b: {  	v6 =	vor.u32 v6, v8  }
0x7c: {  	v6 =	vadd.s32 v2, v6  }
0x7d: {  	v7 =	vor.u32 v4, v7;
	_ =	sdelay $0x3  }
0x7e: {  	[tilespmem:v6+s7+$0x0] =	vst.idx.add.f32.msk $0xffff, v3  }
0x7f: {  	v6 =	vld.idx.msk [tilespmem:v7+s2+$0x0], $0xffff;
	_ =	sdelay $0x3  }
0x80: {  	s28 =	sadd.s32 $0xFFFFFFFC, s10  }
0x81: {  	v49 =	vmov s28;
	v7 =	vshll.u32 v6, $0x3  }
0x82: {  	v50 =	vshll.u32 v49, $0x3;
	v6 =	vand.u32 $0x7F, v6;
	v7 =	vand.u32 $0xFFFFFC00, v7  }
0x83: {  	v51 =	vand.u32 $0x400, v50;
	v6 =	vor.u32 v6, v7;
	v7 =	vand.u32 $0x7B, v49  }
0x84: {  	v6 =	vadd.s32 v5, v6;
	v7 =	vor.u32 v7, v51  }
0x85: {  	v8 =	vor.u32 v1, v7;
	_ =	sdelay $0x3  }
0x86: {  	[tilespmem:v6+s7+$0x0] =	vst.idx.add.f32.msk $0xffff, v3  }
0x87: {  	v6 =	vld.idx.msk [tilespmem:v8+s2+$0x0], $0xffff;
	_ =	sdelay $0x4  }
0x88: {  	v8 =	vshll.u32 v6, $0x3  }
0x89: {  	v6 =	vand.u32 $0x7F, v6;
	v8 =	vand.u32 $0xFFFFFC00, v8  }
0x8a: {  	v6 =	vor.u32 v6, v8  }
0x8b: {  	v6 =	vadd.s32 v2, v6  }
0x8c: {  	v7 =	vor.u32 v4, v7;
	_ =	sdelay $0x3  }
0x8d: {  	[tilespmem:v6+s7+$0x0] =	vst.idx.add.f32.msk $0xffff, v3  }
0x8e: {  	v6 =	vld.idx.msk [tilespmem:v7+s2+$0x0], $0xffff;
	_ =	sdelay $0x3  }
0x8f: {  	s29 =	sadd.s32 $0xFFFFFFFD, s10  }
0x90: {  	v52 =	vmov s29;
	v7 =	vshll.u32 v6, $0x3  }
0x91: {  	v53 =	vshll.u32 v52, $0x3;
	v6 =	vand.u32 $0x7F, v6;
	v7 =	vand.u32 $0xFFFFFC00, v7  }
0x92: {  	v54 =	vand.u32 $0x400, v53;
	v6 =	vor.u32 v6, v7;
	v7 =	vand.u32 $0x7C, v52  }
0x93: {  	v6 =	vadd.s32 v5, v6;
	v7 =	vor.u32 v7, v54  }
0x94: {  	v8 =	vor.u32 v1, v7;
	_ =	sdelay $0x3  }
0x95: {  	[tilespmem:v6+s7+$0x0] =	vst.idx.add.f32.msk $0xffff, v3  }
0x96: {  	v6 =	vld.idx.msk [tilespmem:v8+s2+$0x0], $0xffff;
	_ =	sdelay $0x4  }
0x97: {  	v8 =	vshll.u32 v6, $0x3  }
0x98: {  	v6 =	vand.u32 $0x7F, v6;
	v8 =	vand.u32 $0xFFFFFC00, v8  }
0x99: {  	v6 =	vor.u32 v6, v8  }
0x9a: {  	v6 =	vadd.s32 v2, v6  }
0x9b: {  	v7 =	vor.u32 v4, v7;
	_ =	sdelay $0x3  }
0x9c: {  	[tilespmem:v6+s7+$0x0] =	vst.idx.add.f32.msk $0xffff, v3  }
0x9d: {  	v6 =	vld.idx.msk [tilespmem:v7+s2+$0x0], $0xffff;
	_ =	sdelay $0x3  }
0x9e: {  	s30 =	sadd.s32 $0xFFFFFFFE, s10  }
0x9f: {  	v55 =	vmov s30;
	v7 =	vshll.u32 v6, $0x3  }
0xa0: {  	v56 =	vshll.u32 v55, $0x3;
	v6 =	vand.u32 $0x7F, v6;
	v7 =	vand.u32 $0xFFFFFC00, v7  }
0xa1: {  	v57 =	vand.u32 $0x400, v56;
	v6 =	vor.u32 v6, v7;
	v7 =	vand.u32 $0x7D, v55  }
0xa2: {  	v6 =	vadd.s32 v5, v6;
	v7 =	vor.u32 v7, v57  }
0xa3: {  	v8 =	vor.u32 v1, v7;
	_ =	sdelay $0x3  }
0xa4: {  	[tilespmem:v6+s7+$0x0] =	vst.idx.add.f32.msk $0xffff, v3  }
0xa5: {  	v6 =	vld.idx.msk [tilespmem:v8+s2+$0x0], $0xffff;
	_ =	sdelay $0x4  }
0xa6: {  	v8 =	vshll.u32 v6, $0x3  }
0xa7: {  	v6 =	vand.u32 $0x7F, v6;
	v8 =	vand.u32 $0xFFFFFC00, v8  }
0xa8: {  	v6 =	vor.u32 v6, v8  }
0xa9: {  	v6 =	vadd.s32 v2, v6  }
0xaa: {  	v7 =	vor.u32 v4, v7;
	_ =	sdelay $0x3  }
0xab: {  	[tilespmem:v6+s7+$0x0] =	vst.idx.add.f32.msk $0xffff, v3  }
0xac: {  	v6 =	vld.idx.msk [tilespmem:v7+s2+$0x0], $0xffff;
	_ =	sdelay $0x3  }
0xad: {  	s31 =	sadd.s32 $0xFFFFFFFF, s10  }
0xae: {  	v58 =	vmov s31;
	v7 =	vshll.u32 v6, $0x3  }
0xaf: {  	v59 =	vshll.u32 v58, $0x3;
	v6 =	vand.u32 $0x7F, v6;
	v7 =	vand.u32 $0xFFFFFC00, v7  }
0xb0: {  	v60 =	vand.u32 $0x400, v59;
	v6 =	vor.u32 v6, v7;
	v7 =	vand.u32 $0x7E, v58  }
0xb1: {  	v6 =	vadd.s32 v5, v6;
	v7 =	vor.u32 v7, v60  }
0xb2: {  	v8 =	vor.u32 v1, v7;
	_ =	sdelay $0x3  }
0xb3: {  	[tilespmem:v6+s7+$0x0] =	vst.idx.add.f32.msk $0xffff, v3  }
0xb4: {  	v6 =	vld.idx.msk [tilespmem:v8+s2+$0x0], $0xffff;
	_ =	sdelay $0x4  }
0xb5: {  	v8 =	vshll.u32 v6, $0x3  }
0xb6: {  	v6 =	vand.u32 $0x7F, v6;
	v8 =	vand.u32 $0xFFFFFC00, v8  }
0xb7: {  	v6 =	vor.u32 v6, v8  }
0xb8: {  	v6 =	vadd.s32 v2, v6  }
0xb9: {  	v7 =	vor.u32 v4, v7;
	_ =	sdelay $0x3  }
0xba: {  	[tilespmem:v6+s7+$0x0] =	vst.idx.add.f32.msk $0xffff, v3  }
0xbb: {  	v6 =	vld.idx.msk [tilespmem:v7+s2+$0x0], $0xffff;
	_ =	sdelay $0x4  }
0xbc: {  	v61 =	vmov s10;
	v7 =	vshll.u32 v6, $0x3  }
0xbd: {  	v62 =	vshll.u32 v61, $0x3;
	v6 =	vand.u32 $0x7F, v6;
	v7 =	vand.u32 $0xFFFFFC00, v7  }
0xbe: {  	v63 =	vand.u32 $0x400, v62;
	v6 =	vor.u32 v6, v7;
	v7 =	vand.u32 $0x7F, v61  }
0xbf: {  	v6 =	vadd.s32 v5, v6;
	v7 =	vor.u32 v7, v63  }
0xc0: {  	v8 =	vor.u32 v1, v7;
	_ =	sdelay $0x3  }
0xc1: {  	[tilespmem:v6+s7+$0x0] =	vst.idx.add.f32.msk $0xffff, v3  }
0xc2: {  	v6 =	vld.idx.msk [tilespmem:v8+s2+$0x0], $0xffff;
	_ =	sdelay $0x4  }
0xc3: {  	v8 =	vshll.u32 v6, $0x3  }
0xc4: {  	v6 =	vand.u32 $0x7F, v6;
	v8 =	vand.u32 $0xFFFFFC00, v8  }
0xc5: {  	v6 =	vor.u32 v6, v8  }
0xc6: {  	v6 =	vadd.s32 v2, v6  }
0xc7: {  	v7 =	vor.u32 v4, v7;
	_ =	sdelay $0x3  }
0xc8: {  	[tilespmem:v6+s7+$0x0] =	vst.idx.add.f32.msk $0xffff, v3  }
0xc9: {  	v6 =	vld.idx.msk [tilespmem:v7+s2+$0x0], $0xffff;
	_ =	sdelay $0x4  }
0xca: {  	v7 =	vshll.u32 v6, $0x3  }
0xcb: {  	v6 =	vand.u32 $0x7F, v6;
	v7 =	vand.u32 $0xFFFFFC00, v7  }
0xcc: {  	v6 =	vor.u32 v6, v7  }
0xcd: {  	p0 =	sne.s32 s10, $0xC7;
	v6 =	vadd.s32 v5, v6  }
.Ltmp1:
0xce: {  	_ = 	snop;
	(pc) =	sbr.rel @p0 .LBB2_4-.Ltmp1, $2  }
0xcf: {  	_ =	sdelay $0x2  }
0xd0: {  	s10 =	sadd.s32 $0x8, s10;
	[tilespmem:v6+s7+$0x0] =	vst.idx.add.f32.msk $0xffff, v3  }
0xd1: {  	s9 =	sadd.s32 $0x1, s9  }
0xd2: {  	p0 =	sne.s32 s9, s5  }
.Ltmp2:
0xd3: {  	_ = 	snop;
	(pc) =	sbr.rel @p0 .LBB2_1-.Ltmp2, $4  }
0xd4: {  	[hbm4b:s4+s2] =	stream.linear.scatter [tilespmem:s7], [sflag:$0x2], $0x8000, $0x38;
	[tilespmem:$0xA000] =	vst v63  }
0xd5: {  	_ =	swait.ge [sflag:s8], $0x8000  }
0xd6: {  	[sflag:s8] =	ssyncset.done $0x0  }
0xd7: {  	[sflag:s8] =	ssyncadd.s32 $0xFFFF8000  }
0xd8: {  	_ =	sfence.sel $0x180000  }
0xd9: {  	[bflag:$0x0] =	sbarrier.arrive $0xFFFF  }
0xda: {  	p0 =	sne.s32 s1, $0x0;
	_ =	strace $0x90000047  }
0xdb: {  	s0 =	sadd.s32 @!p0 $0x100000, s0;
	[bflag:$0x2] =	sbarrier.arrive $0xFFFF  }
0xdc: {  	[sflag:s0] =	ssyncadd.tile.s32 @!p0 $0x1;
	_ =	shalt  }
.Lfunc_end2:
_tile_overlayer_lowered:
.L_overlay_start_2:
0xdd: {  	(tag) =	ssettag $0x2  }
0xde: {  	s0 =	rddreg [dreg:$0x0];
	s2 =	stileid.u32  }
0xdf: {  	s1 =	rddreg [dreg:$0x1];
	p0 =	sne.s32 s2, $0x0  }
0xe0: {  	s3 =	rddreg [dreg:$0x2];
	[bflag:$0x3] =	sbarrier.arrive $0xFFFF;
	s2 =	simm.s32 @!p0 $0x1C02  }
0xe1: {  	[timem:s3], [sflag:s2] =	dma.local @!p0 [hbm:s0], s1  }
0xe2: {  	s0 =	simm.s32 @!p0 $0x2  }
0xe3: {  	_ =	swait.ge @!p0 [sflag:s0], s1  }
0xe4: {  	s1 =	ssub.s32 @!p0 $0x0, s1;
	[sflag:s0] =	ssyncset.done @!p0 $0x0  }
0xe5: {  	[sflag:s0] =	ssyncadd.s32 @!p0 s1  }
0xe6: {  	[bflag:$0x3] =	sbarrier.arrive $0xFFFF  }
0xe7: {  	_ =	shalt  }

</sc_bundles>
